<compile_context>
chip_gen: v7x
topology: tpu7x:2x2x1
jax: 0.10.2.dev20260603
libtpu: 0.0.44.dev20260713+nightly
codegen_flags: <defaults>
</compile_context>

<pallas_src>
import functools

import jax
import jax.numpy as jnp
from jax import lax
from jax.experimental import pallas as pl
from jax.experimental.pallas import tpu as pltpu
from jax.experimental.pallas import tpu_sc as plsc

_VOCAB = 1000000
_D = 64
_ENT_V = 100000
_ENT_D = 100
_B = 16384
_L = 20

_NC = 2
_NS = 16
_NW = _NC * _NS
_POS = _B * _L
_PER_W = _POS // _NW
_CHUNK = 128
_NCHUNK = _PER_W // _CHUNK
_NBUF = 4

_BLK = 4096
_M_W = 503808
_SB_W = 122
_M_E = 53248
_SB_E = 12
_FIN_NB = 512



def _transform_body(xa_ref, xb_ref, w_ref, b_ref, out_ref):
    dn = (((0,), (0,)), ((), ()))
    acc_a = lax.dot_general(xa_ref[...], w_ref[...], dn,
                            preferred_element_type=jnp.float32)
    acc_b = lax.dot_general(xb_ref[...], w_ref[...], dn,
                            preferred_element_type=jnp.float32)
    bias = b_ref[...]
    out_ref[...] = jnp.tanh(
        jnp.concatenate([acc_a + bias, acc_b + bias], axis=1))


def _transform_table(entity_table_t, W, b):
    nblk = _M_E // _BLK
    return pl.pallas_call(
        _transform_body,
        grid=(nblk,),
        in_specs=[
            pl.BlockSpec((_ENT_D, _BLK), lambda i: (0, i)),
            pl.BlockSpec((_ENT_D, _BLK), lambda i: (0, _SB_E + i)),
            pl.BlockSpec((_ENT_D, _D), lambda i: (0, 0)),
            pl.BlockSpec((1, _D), lambda i: (0, 0)),
        ],
        out_specs=pl.BlockSpec((_BLK, 2 * _D), lambda i: (i, 0)),
        out_shape=jax.ShapeDtypeStruct((_M_E, 2 * _D), jnp.float32),
    )(entity_table_t, entity_table_t, W, b.reshape(1, _D))



def _wt_body(xa_ref, xb_ref, out_ref):
    i0 = lax.broadcasted_iota(jnp.int32, (_D, _D), 0)
    i1 = lax.broadcasted_iota(jnp.int32, (_D, _D), 1)
    eye = jnp.where(i0 == i1, 1.0, 0.0).astype(jnp.float32)
    dn = (((0,), (0,)), ((), ()))
    ya = lax.dot_general(xa_ref[...], eye, dn,
                         preferred_element_type=jnp.float32)
    yb = lax.dot_general(xb_ref[...], eye, dn,
                         preferred_element_type=jnp.float32)
    out_ref[...] = jnp.concatenate([ya, yb], axis=1)


def _transpose_word(word_table_t):
    nblk = _M_W // _BLK
    return pl.pallas_call(
        _wt_body,
        grid=(nblk,),
        in_specs=[
            pl.BlockSpec((_D, _BLK), lambda i: (0, i)),
            pl.BlockSpec((_D, _BLK), lambda i: (0, _SB_W + i)),
        ],
        out_specs=pl.BlockSpec((_BLK, 2 * _D), lambda i: (i, 0)),
        out_shape=jax.ShapeDtypeStruct((_M_W, 2 * _D), jnp.float32),
    )(word_table_t, word_table_t)



def _sc_body(table_hbm, src_hbm, out_hbm, src_v,
             buf0, buf1, buf2, buf3, sem0, sem1, sem2, sem3):
    c = lax.axis_index("c")
    s = lax.axis_index("s")
    wid = s * _NC + c
    bufs = (buf0, buf1, buf2, buf3)
    sems = (sem0, sem1, sem2, sem3)
    row0 = wid * _PER_W

    pltpu.sync_copy(src_hbm.at[wid], src_v)

    for t in range(_NBUF):
        pltpu.async_copy(table_hbm.at[src_v.at[t]], bufs[t], sems[t])

    def outer(o, carry):
        for t in range(_NBUF):
            j = o * _NBUF + t
            pltpu.make_async_copy(
                table_hbm.at[src_v.at[j]], bufs[t], sems[t]).wait()
            pltpu.async_copy(
                bufs[t], out_hbm.at[pl.ds(row0 + j * _CHUNK, _CHUNK)],
                sems[t]).wait()
            pltpu.async_copy(
                table_hbm.at[src_v.at[j + _NBUF]], bufs[t], sems[t])
        return carry

    lax.fori_loop(0, _NCHUNK // _NBUF - 1, outer, 0)

    for t in range(_NBUF):
        j = (_NCHUNK - _NBUF) + t
        pltpu.make_async_copy(
            table_hbm.at[src_v.at[j]], bufs[t], sems[t]).wait()
        pltpu.async_copy(
            bufs[t], out_hbm.at[pl.ds(row0 + j * _CHUNK, _CHUNK)],
            sems[t]).wait()


@functools.partial(
    pl.kernel,
    out_type=jax.ShapeDtypeStruct((_POS, _D), jnp.float32),
    mesh=plsc.VectorSubcoreMesh(core_axis_name="c", subcore_axis_name="s"),
    compiler_params=pltpu.CompilerParams(use_tc_tiling_on_sc=False),
    scratch_types=[
        pltpu.VMEM((_NCHUNK, _CHUNK), jnp.int32),
        pltpu.VMEM((_CHUNK, _D), jnp.float32),
        pltpu.VMEM((_CHUNK, _D), jnp.float32),
        pltpu.VMEM((_CHUNK, _D), jnp.float32),
        pltpu.VMEM((_CHUNK, _D), jnp.float32),
        pltpu.SemaphoreType.DMA,
        pltpu.SemaphoreType.DMA,
        pltpu.SemaphoreType.DMA,
        pltpu.SemaphoreType.DMA,
    ],
)
def _sc_gather(table_hbm, src_hbm, out_hbm, *scratch):
    _sc_body(table_hbm, src_hbm, out_hbm, *scratch)



def _fin_body(rows_ref, out_ref):
    xt = rows_ref[...].T
    out_ref[...] = jnp.concatenate(
        [xt[0:_D, :], xt[_D:2 * _D, :]], axis=1).reshape(1, 1, _D, _B)


def _fin_body2(rows_ref, prev_ref, out_ref):
    del prev_ref
    _fin_body(rows_ref, out_ref)


def _fin_first(rows128_e):
    return pl.pallas_call(
        _fin_body,
        grid=(_L,),
        in_specs=[
            pl.BlockSpec((_B // 2, 2 * _D), lambda l: (l, 0)),
        ],
        out_specs=pl.BlockSpec((1, 1, _D, _B), lambda l: (1, l, 0, 0)),
        out_shape=jax.ShapeDtypeStruct((2, _L, _D, _B), jnp.float32),
    )(rows128_e)


def _fin_second(rows128_t, prev):
    return pl.pallas_call(
        _fin_body2,
        grid=(_L,),
        in_specs=[
            pl.BlockSpec((_B // 2, 2 * _D), lambda l: (l, 0)),
            pl.BlockSpec(memory_space=pl.ANY),
        ],
        out_specs=pl.BlockSpec((1, 1, _D, _B), lambda l: (0, l, 0, 0)),
        out_shape=jax.ShapeDtypeStruct((2, _L, _D, _B), jnp.float32),
        input_output_aliases={1: 0},
    )(rows128_t, prev)


def kernel(titles, entities, word_table, entity_table, W, b):
    transformed = _transform_table(entity_table.T, W, b).reshape(2 * _M_E, _D)
    word_rm = _transpose_word(word_table.T).reshape(2 * _M_W, _D)

    order = jnp.stack(
        [jnp.arange(_B // 2, dtype=jnp.int32),
         jnp.arange(_B // 2, dtype=jnp.int32) + _B // 2],
        axis=1).reshape(-1)
    t = titles.T[:, order].reshape(-1).astype(jnp.int32)
    e = entities.T[:, order].reshape(-1).astype(jnp.int32)
    src_t = jnp.where(t < _M_W, 2 * t, 2 * (t - _SB_W * _BLK) + 1)
    src_e = jnp.where(e < _M_E, 2 * e, 2 * (e - _SB_E * _BLK) + 1)

    shape3 = (_NW, _NCHUNK, _CHUNK)
    rows_e = _sc_gather(transformed, src_e.reshape(shape3))
    rows_w = _sc_gather(word_rm, src_t.reshape(shape3))
    out_half = _fin_first(rows_e.reshape(_POS // 2, 2 * _D))
    out_p = _fin_second(rows_w.reshape(_POS // 2, 2 * _D), out_half)
    return jnp.transpose(out_p, (3, 0, 1, 2))

# --- scband reference (transcript-rebuilt; emitter-appended) ---
"""Pipeline reference for scband-embedding-74354473828877 (READ-ONLY COPY).

The authoritative reference and input builder live on the scoring server;
editing this copy changes nothing except your own understanding.
"""

import jax, jax.numpy as jnp
import numpy as np

VOCAB = 1000000
D = 64
ENT_V = 100000
ENT_D = 100
B = 16384
L = 20
PAD = 0


def setup_inputs(seed: int = 0) -> dict:
    key = jax.random.key(seed)
    ks = jax.random.split(key, 5)
    word_table = jax.random.normal(ks[0], (VOCAB, D), dtype=jnp.float32) * 0.02
    word_table = word_table.at[PAD].set(0.0)  # padding_idx row is zero
    entity_table = jax.random.normal(ks[1], (ENT_V, ENT_D), dtype=jnp.float32) * 0.02
    W = jax.random.normal(ks[2], (ENT_D, D), dtype=jnp.float32) * (1.0 / np.sqrt(ENT_D))
    b = jnp.zeros((D,), dtype=jnp.float32)
    titles = jax.random.randint(ks[3], (B, L), 0, VOCAB, dtype=jnp.int64) if jax.config.jax_enable_x64 else jax.random.randint(ks[3], (B, L), 0, VOCAB)
    entities = jax.random.randint(ks[4], (B, L), 0, ENT_V)
    return {"titles": titles, "entities": entities, "word_table": word_table,
            "entity_table": entity_table, "W": W, "b": b}


def reference(titles, entities, word_table, entity_table, W, b):
    # titles_embedding = self.word_embedding(titles)
    titles_embedding = jnp.take(word_table, titles, axis=0)  # [B, L, D]
    # entities_embedding = Tanh(Linear(F.embedding(entities, entity_embedding)))
    ent = jnp.take(entity_table, entities, axis=0)  # [B, L, ENT_D]
    entities_embedding = jnp.tanh(ent @ W + b)  # [B, L, D]
    # torch.stack([...], dim=1) -> [B, 2, L, D]
    return jnp.stack([titles_embedding, entities_embedding], axis=1)

if __name__ == "__main__":
    import jax
    _d = setup_inputs()
    print(jax.jit(kernel)(*tuple(_d.values())))

</pallas_src>

<mosaic_0001>
#map = affine_map<(d0, d1) -> (0, 0)>
#map1 = affine_map<(d0, d1) -> (0, 0, 0)>
module attributes {stable_mosaic.version = 14 : i64} {
  func.func @_sc_gather(%arg0: i32, %arg1: i32, %arg2: memref<106496x64xf32, #tpu.memory_space<hbm>>, %arg3: memref<32x80x128xi32, #tpu.memory_space<hbm>>, %arg4: memref<327680x64xf32, #tpu.memory_space<hbm>>, %arg5: memref<80x128xi32, #tpu.memory_space<vmem>>, %arg6: memref<128x64xf32, #tpu.memory_space<vmem>>, %arg7: memref<128x64xf32, #tpu.memory_space<vmem>>, %arg8: memref<128x64xf32, #tpu.memory_space<vmem>>, %arg9: memref<128x64xf32, #tpu.memory_space<vmem>>, %arg10: memref<!tpu.dma_semaphore, #tpu.memory_space<semaphore_mem>>, %arg11: memref<!tpu.dma_semaphore, #tpu.memory_space<semaphore_mem>>, %arg12: memref<!tpu.dma_semaphore, #tpu.memory_space<semaphore_mem>>, %arg13: memref<!tpu.dma_semaphore, #tpu.memory_space<semaphore_mem>>) attributes {dimension_semantics = [#tpu.dimension_semantics<core_parallel>, #tpu.dimension_semantics<subcore_parallel>], iteration_bounds = array<i64: 2, 16>, scalar_prefetch = 0 : i64, scratch_operands = 9 : i64, tpu.core_type = #tpu.core_type<sc_vector_subcore>, window_params = [{transform_indices = #map}, {transform_indices = #map1}, {transform_indices = #map}]} {
    %mul3A = arith.constant 2 : i32
    %mul3A_0 = arith.muli %arg1, %mul3A : i32
    %add3A = arith.addi %mul3A_0, %arg0 : i32
    %mul3A_1 = arith.constant 10240 : i32
    %mul3A_2 = arith.muli %add3A, %mul3A_1 : i32
    "tpu.region"() ({
      %run_scoped3A = tpu.sem_alloc : memref<!tpu.dma_semaphore, #tpu.memory_space<semaphore_mem>>
      %dma_start3A_102 = arith.constant 0 : i32
      %dma_start3A_103 = arith.constant 0 : i32
      %dma_start3A_104 = tpu.memref_slice %arg3[%add3A, %dma_start3A_102, %dma_start3A_103] : memref<32x80x128xi32, #tpu.memory_space<hbm>> -> memref<1x80x128xi32, #tpu.memory_space<hbm>>
      %dma_start3A_105 = tpu.memref_squeeze %dma_start3A_104 : memref<1x80x128xi32, #tpu.memory_space<hbm>> -> memref<80x128xi32, #tpu.memory_space<hbm>>
      %dma_start3A_106 = arith.constant 0 : i32
      %dma_start3A_107 = arith.constant 0 : i32
      %dma_start3A_108 = tpu.memref_slice %arg3[%add3A, %dma_start3A_106, %dma_start3A_107] : memref<32x80x128xi32, #tpu.memory_space<hbm>> -> memref<1x80x128xi32, #tpu.memory_space<hbm>>
      %dma_start3A_109 = tpu.memref_squeeze %dma_start3A_108 : memref<1x80x128xi32, #tpu.memory_space<hbm>> -> memref<80x128xi32, #tpu.memory_space<hbm>>
      tpu.enqueue_dma source(%dma_start3A_109 : memref<80x128xi32, #tpu.memory_space<hbm>>) target(%arg5 : memref<80x128xi32, #tpu.memory_space<vmem>>) target_semaphore(%run_scoped3A : memref<!tpu.dma_semaphore, #tpu.memory_space<semaphore_mem>>)
      %dma_wait3A_110 = arith.constant 0 : i32
      %dma_wait3A_111 = arith.constant 0 : i32
      %dma_wait3A_112 = tpu.memref_slice %arg3[%add3A, %dma_wait3A_110, %dma_wait3A_111] : memref<32x80x128xi32, #tpu.memory_space<hbm>> -> memref<1x80x128xi32, #tpu.memory_space<hbm>>
      %dma_wait3A_113 = tpu.memref_squeeze %dma_wait3A_112 : memref<1x80x128xi32, #tpu.memory_space<hbm>> -> memref<80x128xi32, #tpu.memory_space<hbm>>
      %dma_wait3A_114 = arith.constant 0 : i32
      %dma_wait3A_115 = arith.constant 0 : i32
      %dma_wait3A_116 = tpu.memref_slice %arg3[%add3A, %dma_wait3A_114, %dma_wait3A_115] : memref<32x80x128xi32, #tpu.memory_space<hbm>> -> memref<1x80x128xi32, #tpu.memory_space<hbm>>
      %dma_wait3A_117 = tpu.memref_squeeze %dma_wait3A_116 : memref<1x80x128xi32, #tpu.memory_space<hbm>> -> memref<80x128xi32, #tpu.memory_space<hbm>>
      tpu.wait_dma2 semaphore(%run_scoped3A : memref<!tpu.dma_semaphore, #tpu.memory_space<semaphore_mem>>) src(%dma_wait3A_117 : memref<80x128xi32, #tpu.memory_space<hbm>>) dst(%arg5 : memref<80x128xi32, #tpu.memory_space<vmem>>)
      tpu.yield
    }) : () -> ()
    %dma_start3A = arith.constant 0 : i32
    %dma_start3A_3 = arith.constant 0 : i32
    %dma_start3A_4 = tpu.memref_slice %arg5[%dma_start3A, %dma_start3A_3] : memref<80x128xi32, #tpu.memory_space<vmem>> -> memref<1x128xi32, #tpu.memory_space<vmem>>
    %dma_start3A_5 = tpu.memref_squeeze %dma_start3A_4 : memref<1x128xi32, #tpu.memory_space<vmem>> -> memref<128xi32, #tpu.memory_space<vmem>>
    %dma_start3A_6 = arith.constant 0 : i32
    %dma_start3A_7 = arith.constant 0 : i32
    %dma_start3A_8 = tpu.memref_slice %arg2[%dma_start3A_6, %dma_start3A_7] : memref<106496x64xf32, #tpu.memory_space<hbm>> -> memref<106496x64xf32, #tpu.memory_space<hbm>>
    tpu.enqueue_indirect_dma source(%dma_start3A_8 : memref<106496x64xf32, #tpu.memory_space<hbm>>) target(%arg6 : memref<128x64xf32, #tpu.memory_space<vmem>>) offsets(%dma_start3A_5 : memref<128xi32, #tpu.memory_space<vmem>>) semaphore(%arg10 : memref<!tpu.dma_semaphore, #tpu.memory_space<semaphore_mem>>)
    %dma_start3A_9 = arith.constant 1 : i32
    %dma_start3A_10 = arith.constant 0 : i32
    %dma_start3A_11 = tpu.memref_slice %arg5[%dma_start3A_9, %dma_start3A_10] : memref<80x128xi32, #tpu.memory_space<vmem>> -> memref<1x128xi32, #tpu.memory_space<vmem>>
    %dma_start3A_12 = tpu.memref_squeeze %dma_start3A_11 : memref<1x128xi32, #tpu.memory_space<vmem>> -> memref<128xi32, #tpu.memory_space<vmem>>
    %dma_start3A_13 = arith.constant 0 : i32
    %dma_start3A_14 = arith.constant 0 : i32
    %dma_start3A_15 = tpu.memref_slice %arg2[%dma_start3A_13, %dma_start3A_14] : memref<106496x64xf32, #tpu.memory_space<hbm>> -> memref<106496x64xf32, #tpu.memory_space<hbm>>
    tpu.enqueue_indirect_dma source(%dma_start3A_15 : memref<106496x64xf32, #tpu.memory_space<hbm>>) target(%arg7 : memref<128x64xf32, #tpu.memory_space<vmem>>) offsets(%dma_start3A_12 : memref<128xi32, #tpu.memory_space<vmem>>) semaphore(%arg11 : memref<!tpu.dma_semaphore, #tpu.memory_space<semaphore_mem>>)
    %dma_start3A_16 = arith.constant 2 : i32
    %dma_start3A_17 = arith.constant 0 : i32
    %dma_start3A_18 = tpu.memref_slice %arg5[%dma_start3A_16, %dma_start3A_17] : memref<80x128xi32, #tpu.memory_space<vmem>> -> memref<1x128xi32, #tpu.memory_space<vmem>>
    %dma_start3A_19 = tpu.memref_squeeze %dma_start3A_18 : memref<1x128xi32, #tpu.memory_space<vmem>> -> memref<128xi32, #tpu.memory_space<vmem>>
    %dma_start3A_20 = arith.constant 0 : i32
    %dma_start3A_21 = arith.constant 0 : i32
    %dma_start3A_22 = tpu.memref_slice %arg2[%dma_start3A_20, %dma_start3A_21] : memref<106496x64xf32, #tpu.memory_space<hbm>> -> memref<106496x64xf32, #tpu.memory_space<hbm>>
    tpu.enqueue_indirect_dma source(%dma_start3A_22 : memref<106496x64xf32, #tpu.memory_space<hbm>>) target(%arg8 : memref<128x64xf32, #tpu.memory_space<vmem>>) offsets(%dma_start3A_19 : memref<128xi32, #tpu.memory_space<vmem>>) semaphore(%arg12 : memref<!tpu.dma_semaphore, #tpu.memory_space<semaphore_mem>>)
    %dma_start3A_23 = arith.constant 3 : i32
    %dma_start3A_24 = arith.constant 0 : i32
    %dma_start3A_25 = tpu.memref_slice %arg5[%dma_start3A_23, %dma_start3A_24] : memref<80x128xi32, #tpu.memory_space<vmem>> -> memref<1x128xi32, #tpu.memory_space<vmem>>
    %dma_start3A_26 = tpu.memref_squeeze %dma_start3A_25 : memref<1x128xi32, #tpu.memory_space<vmem>> -> memref<128xi32, #tpu.memory_space<vmem>>
    %dma_start3A_27 = arith.constant 0 : i32
    %dma_start3A_28 = arith.constant 0 : i32
    %dma_start3A_29 = tpu.memref_slice %arg2[%dma_start3A_27, %dma_start3A_28] : memref<106496x64xf32, #tpu.memory_space<hbm>> -> memref<106496x64xf32, #tpu.memory_space<hbm>>
    tpu.enqueue_indirect_dma source(%dma_start3A_29 : memref<106496x64xf32, #tpu.memory_space<hbm>>) target(%arg9 : memref<128x64xf32, #tpu.memory_space<vmem>>) offsets(%dma_start3A_26 : memref<128xi32, #tpu.memory_space<vmem>>) semaphore(%arg13 : memref<!tpu.dma_semaphore, #tpu.memory_space<semaphore_mem>>)
    %scan3A = arith.constant 0 : i32
    %scan3A_30 = arith.constant 0 : i32
    %scan3A_31 = arith.constant 19 : i32
    %scan3A_32 = arith.addi %scan3A_30, %scan3A_31 : i32
    %scan3A_33 = arith.constant 1 : i32
    scf.for %scan3A_102 = %scan3A_30 to %scan3A_32 step %scan3A_33  : i32 {
      %mul3A_103 = arith.constant 4 : i32
      %mul3A_104 = arith.muli %scan3A_102, %mul3A_103 : i32
      %add3A_105 = arith.constant 0 : i32
      %add3A_106 = arith.addi %mul3A_104, %add3A_105 : i32
      %dma_wait3A_107 = arith.constant 0 : i32
      %dma_wait3A_108 = tpu.memref_slice %arg5[%add3A_106, %dma_wait3A_107] : memref<80x128xi32, #tpu.memory_space<vmem>> -> memref<1x128xi32, #tpu.memory_space<vmem>>
      %dma_wait3A_109 = tpu.memref_squeeze %dma_wait3A_108 : memref<1x128xi32, #tpu.memory_space<vmem>> -> memref<128xi32, #tpu.memory_space<vmem>>
      %dma_wait3A_110 = arith.constant 0 : i32
      %dma_wait3A_111 = arith.constant 0 : i32
      %dma_wait3A_112 = tpu.memref_slice %arg2[%dma_wait3A_110, %dma_wait3A_111] : memref<106496x64xf32, #tpu.memory_space<hbm>> -> memref<106496x64xf32, #tpu.memory_space<hbm>>
      tpu.wait_indirect_dma semaphore(%arg10 : memref<!tpu.dma_semaphore, #tpu.memory_space<semaphore_mem>>) src(%dma_wait3A_112 : memref<106496x64xf32, #tpu.memory_space<hbm>>) dst(%arg6 : memref<128x64xf32, #tpu.memory_space<vmem>>)
      %mul3A_113 = arith.constant 128 : i32
      %mul3A_114 = arith.muli %add3A_106, %mul3A_113 : i32
      %add3A_115 = arith.addi %mul3A_2, %mul3A_114 : i32
      %dma_start3A_116 = arith.constant 0 : i32
      %dma_start3A_117 = tpu.memref_slice %arg4[%add3A_115, %dma_start3A_116] : memref<327680x64xf32, #tpu.memory_space<hbm>> -> memref<128x64xf32, #tpu.memory_space<hbm>>
      %dma_start3A_118 = arith.constant 0 : i32
      %dma_start3A_119 = tpu.memref_slice %arg4[%add3A_115, %dma_start3A_118] : memref<327680x64xf32, #tpu.memory_space<hbm>> -> memref<128x64xf32, #tpu.memory_space<hbm>>
      tpu.enqueue_dma source(%arg6 : memref<128x64xf32, #tpu.memory_space<vmem>>) target(%dma_start3A_119 : memref<128x64xf32, #tpu.memory_space<hbm>>) target_semaphore(%arg10 : memref<!tpu.dma_semaphore, #tpu.memory_space<semaphore_mem>>)
      %dma_wait3A_120 = arith.constant 0 : i32
      %dma_wait3A_121 = tpu.memref_slice %arg4[%add3A_115, %dma_wait3A_120] : memref<327680x64xf32, #tpu.memory_space<hbm>> -> memref<128x64xf32, #tpu.memory_space<hbm>>
      %dma_wait3A_122 = arith.constant 0 : i32
      %dma_wait3A_123 = tpu.memref_slice %arg4[%add3A_115, %dma_wait3A_122] : memref<327680x64xf32, #tpu.memory_space<hbm>> -> memref<128x64xf32, #tpu.memory_space<hbm>>
      tpu.wait_dma2 semaphore(%arg10 : memref<!tpu.dma_semaphore, #tpu.memory_space<semaphore_mem>>) src(%arg6 : memref<128x64xf32, #tpu.memory_space<vmem>>) dst(%dma_wait3A_123 : memref<128x64xf32, #tpu.memory_space<hbm>>)
      %add3A_124 = arith.constant 4 : i32
      %add3A_125 = arith.addi %add3A_106, %add3A_124 : i32
      %dma_start3A_126 = arith.constant 0 : i32
      %dma_start3A_127 = tpu.memref_slice %arg5[%add3A_125, %dma_start3A_126] : memref<80x128xi32, #tpu.memory_space<vmem>> -> memref<1x128xi32, #tpu.memory_space<vmem>>
      %dma_start3A_128 = tpu.memref_squeeze %dma_start3A_127 : memref<1x128xi32, #tpu.memory_space<vmem>> -> memref<128xi32, #tpu.memory_space<vmem>>
      %dma_start3A_129 = arith.constant 0 : i32
      %dma_start3A_130 = arith.constant 0 : i32
      %dma_start3A_131 = tpu.memref_slice %arg2[%dma_start3A_129, %dma_start3A_130] : memref<106496x64xf32, #tpu.memory_space<hbm>> -> memref<106496x64xf32, #tpu.memory_space<hbm>>
      tpu.enqueue_indirect_dma source(%dma_start3A_131 : memref<106496x64xf32, #tpu.memory_space<hbm>>) target(%arg6 : memref<128x64xf32, #tpu.memory_space<vmem>>) offsets(%dma_start3A_128 : memref<128xi32, #tpu.memory_space<vmem>>) semaphore(%arg10 : memref<!tpu.dma_semaphore, #tpu.memory_space<semaphore_mem>>)
      %mul3A_132 = arith.constant 4 : i32
      %mul3A_133 = arith.muli %scan3A_102, %mul3A_132 : i32
      %add3A_134 = arith.constant 1 : i32
      %add3A_135 = arith.addi %mul3A_133, %add3A_134 : i32
      %dma_wait3A_136 = arith.constant 0 : i32
      %dma_wait3A_137 = tpu.memref_slice %arg5[%add3A_135, %dma_wait3A_136] : memref<80x128xi32, #tpu.memory_space<vmem>> -> memref<1x128xi32, #tpu.memory_space<vmem>>
      %dma_wait3A_138 = tpu.memref_squeeze %dma_wait3A_137 : memref<1x128xi32, #tpu.memory_space<vmem>> -> memref<128xi32, #tpu.memory_space<vmem>>
      %dma_wait3A_139 = arith.constant 0 : i32
      %dma_wait3A_140 = arith.constant 0 : i32
      %dma_wait3A_141 = tpu.memref_slice %arg2[%dma_wait3A_139, %dma_wait3A_140] : memref<106496x64xf32, #tpu.memory_space<hbm>> -> memref<106496x64xf32, #tpu.memory_space<hbm>>
      tpu.wait_indirect_dma semaphore(%arg11 : memref<!tpu.dma_semaphore, #tpu.memory_space<semaphore_mem>>) src(%dma_wait3A_141 : memref<106496x64xf32, #tpu.memory_space<hbm>>) dst(%arg7 : memref<128x64xf32, #tpu.memory_space<vmem>>)
      %mul3A_142 = arith.constant 128 : i32
      %mul3A_143 = arith.muli %add3A_135, %mul3A_142 : i32
      %add3A_144 = arith.addi %mul3A_2, %mul3A_143 : i32
      %dma_start3A_145 = arith.constant 0 : i32
      %dma_start3A_146 = tpu.memref_slice %arg4[%add3A_144, %dma_start3A_145] : memref<327680x64xf32, #tpu.memory_space<hbm>> -> memref<128x64xf32, #tpu.memory_space<hbm>>
      %dma_start3A_147 = arith.constant 0 : i32
      %dma_start3A_148 = tpu.memref_slice %arg4[%add3A_144, %dma_start3A_147] : memref<327680x64xf32, #tpu.memory_space<hbm>> -> memref<128x64xf32, #tpu.memory_space<hbm>>
      tpu.enqueue_dma source(%arg7 : memref<128x64xf32, #tpu.memory_space<vmem>>) target(%dma_start3A_148 : memref<128x64xf32, #tpu.memory_space<hbm>>) target_semaphore(%arg11 : memref<!tpu.dma_semaphore, #tpu.memory_space<semaphore_mem>>)
      %dma_wait3A_149 = arith.constant 0 : i32
      %dma_wait3A_150 = tpu.memref_slice %arg4[%add3A_144, %dma_wait3A_149] : memref<327680x64xf32, #tpu.memory_space<hbm>> -> memref<128x64xf32, #tpu.memory_space<hbm>>
      %dma_wait3A_151 = arith.constant 0 : i32
      %dma_wait3A_152 = tpu.memref_slice %arg4[%add3A_144, %dma_wait3A_151] : memref<327680x64xf32, #tpu.memory_space<hbm>> -> memref<128x64xf32, #tpu.memory_space<hbm>>
      tpu.wait_dma2 semaphore(%arg11 : memref<!tpu.dma_semaphore, #tpu.memory_space<semaphore_mem>>) src(%arg7 : memref<128x64xf32, #tpu.memory_space<vmem>>) dst(%dma_wait3A_152 : memref<128x64xf32, #tpu.memory_space<hbm>>)
      %add3A_153 = arith.constant 4 : i32
      %add3A_154 = arith.addi %add3A_135, %add3A_153 : i32
      %dma_start3A_155 = arith.constant 0 : i32
      %dma_start3A_156 = tpu.memref_slice %arg5[%add3A_154, %dma_start3A_155] : memref<80x128xi32, #tpu.memory_space<vmem>> -> memref<1x128xi32, #tpu.memory_space<vmem>>
      %dma_start3A_157 = tpu.memref_squeeze %dma_start3A_156 : memref<1x128xi32, #tpu.memory_space<vmem>> -> memref<128xi32, #tpu.memory_space<vmem>>
      %dma_start3A_158 = arith.constant 0 : i32
      %dma_start3A_159 = arith.constant 0 : i32
      %dma_start3A_160 = tpu.memref_slice %arg2[%dma_start3A_158, %dma_start3A_159] : memref<106496x64xf32, #tpu.memory_space<hbm>> -> memref<106496x64xf32, #tpu.memory_space<hbm>>
      tpu.enqueue_indirect_dma source(%dma_start3A_160 : memref<106496x64xf32, #tpu.memory_space<hbm>>) target(%arg7 : memref<128x64xf32, #tpu.memory_space<vmem>>) offsets(%dma_start3A_157 : memref<128xi32, #tpu.memory_space<vmem>>) semaphore(%arg11 : memref<!tpu.dma_semaphore, #tpu.memory_space<semaphore_mem>>)
      %mul3A_161 = arith.constant 4 : i32
      %mul3A_162 = arith.muli %scan3A_102, %mul3A_161 : i32
      %add3A_163 = arith.constant 2 : i32
      %add3A_164 = arith.addi %mul3A_162, %add3A_163 : i32
      %dma_wait3A_165 = arith.constant 0 : i32
      %dma_wait3A_166 = tpu.memref_slice %arg5[%add3A_164, %dma_wait3A_165] : memref<80x128xi32, #tpu.memory_space<vmem>> -> memref<1x128xi32, #tpu.memory_space<vmem>>
      %dma_wait3A_167 = tpu.memref_squeeze %dma_wait3A_166 : memref<1x128xi32, #tpu.memory_space<vmem>> -> memref<128xi32, #tpu.memory_space<vmem>>
      %dma_wait3A_168 = arith.constant 0 : i32
      %dma_wait3A_169 = arith.constant 0 : i32
      %dma_wait3A_170 = tpu.memref_slice %arg2[%dma_wait3A_168, %dma_wait3A_169] : memref<106496x64xf32, #tpu.memory_space<hbm>> -> memref<106496x64xf32, #tpu.memory_space<hbm>>
      tpu.wait_indirect_dma semaphore(%arg12 : memref<!tpu.dma_semaphore, #tpu.memory_space<semaphore_mem>>) src(%dma_wait3A_170 : memref<106496x64xf32, #tpu.memory_space<hbm>>) dst(%arg8 : memref<128x64xf32, #tpu.memory_space<vmem>>)
      %mul3A_171 = arith.constant 128 : i32
      %mul3A_172 = arith.muli %add3A_164, %mul3A_171 : i32
      %add3A_173 = arith.addi %mul3A_2, %mul3A_172 : i32
      %dma_start3A_174 = arith.constant 0 : i32
      %dma_start3A_175 = tpu.memref_slice %arg4[%add3A_173, %dma_start3A_174] : memref<327680x64xf32, #tpu.memory_space<hbm>> -> memref<128x64xf32, #tpu.memory_space<hbm>>
      %dma_start3A_176 = arith.constant 0 : i32
      %dma_start3A_177 = tpu.memref_slice %arg4[%add3A_173, %dma_start3A_176] : memref<327680x64xf32, #tpu.memory_space<hbm>> -> memref<128x64xf32, #tpu.memory_space<hbm>>
      tpu.enqueue_dma source(%arg8 : memref<128x64xf32, #tpu.memory_space<vmem>>) target(%dma_start3A_177 : memref<128x64xf32, #tpu.memory_space<hbm>>) target_semaphore(%arg12 : memref<!tpu.dma_semaphore, #tpu.memory_space<semaphore_mem>>)
      %dma_wait3A_178 = arith.constant 0 : i32
      %dma_wait3A_179 = tpu.memref_slice %arg4[%add3A_173, %dma_wait3A_178] : memref<327680x64xf32, #tpu.memory_space<hbm>> -> memref<128x64xf32, #tpu.memory_space<hbm>>
      %dma_wait3A_180 = arith.constant 0 : i32
      %dma_wait3A_181 = tpu.memref_slice %arg4[%add3A_173, %dma_wait3A_180] : memref<327680x64xf32, #tpu.memory_space<hbm>> -> memref<128x64xf32, #tpu.memory_space<hbm>>
      tpu.wait_dma2 semaphore(%arg12 : memref<!tpu.dma_semaphore, #tpu.memory_space<semaphore_mem>>) src(%arg8 : memref<128x64xf32, #tpu.memory_space<vmem>>) dst(%dma_wait3A_181 : memref<128x64xf32, #tpu.memory_space<hbm>>)
      %add3A_182 = arith.constant 4 : i32
      %add3A_183 = arith.addi %add3A_164, %add3A_182 : i32
      %dma_start3A_184 = arith.constant 0 : i32
      %dma_start3A_185 = tpu.memref_slice %arg5[%add3A_183, %dma_start3A_184] : memref<80x128xi32, #tpu.memory_space<vmem>> -> memref<1x128xi32, #tpu.memory_space<vmem>>
      %dma_start3A_186 = tpu.memref_squeeze %dma_start3A_185 : memref<1x128xi32, #tpu.memory_space<vmem>> -> memref<128xi32, #tpu.memory_space<vmem>>
      %dma_start3A_187 = arith.constant 0 : i32
      %dma_start3A_188 = arith.constant 0 : i32
      %dma_start3A_189 = tpu.memref_slice %arg2[%dma_start3A_187, %dma_start3A_188] : memref<106496x64xf32, #tpu.memory_space<hbm>> -> memref<106496x64xf32, #tpu.memory_space<hbm>>
      tpu.enqueue_indirect_dma source(%dma_start3A_189 : memref<106496x64xf32, #tpu.memory_space<hbm>>) target(%arg8 : memref<128x64xf32, #tpu.memory_space<vmem>>) offsets(%dma_start3A_186 : memref<128xi32, #tpu.memory_space<vmem>>) semaphore(%arg12 : memref<!tpu.dma_semaphore, #tpu.memory_space<semaphore_mem>>)
      %mul3A_190 = arith.constant 4 : i32
      %mul3A_191 = arith.muli %scan3A_102, %mul3A_190 : i32
      %add3A_192 = arith.constant 3 : i32
      %add3A_193 = arith.addi %mul3A_191, %add3A_192 : i32
      %dma_wait3A_194 = arith.constant 0 : i32
      %dma_wait3A_195 = tpu.memref_slice %arg5[%add3A_193, %dma_wait3A_194] : memref<80x128xi32, #tpu.memory_space<vmem>> -> memref<1x128xi32, #tpu.memory_space<vmem>>
      %dma_wait3A_196 = tpu.memref_squeeze %dma_wait3A_195 : memref<1x128xi32, #tpu.memory_space<vmem>> -> memref<128xi32, #tpu.memory_space<vmem>>
      %dma_wait3A_197 = arith.constant 0 : i32
      %dma_wait3A_198 = arith.constant 0 : i32
      %dma_wait3A_199 = tpu.memref_slice %arg2[%dma_wait3A_197, %dma_wait3A_198] : memref<106496x64xf32, #tpu.memory_space<hbm>> -> memref<106496x64xf32, #tpu.memory_space<hbm>>
      tpu.wait_indirect_dma semaphore(%arg13 : memref<!tpu.dma_semaphore, #tpu.memory_space<semaphore_mem>>) src(%dma_wait3A_199 : memref<106496x64xf32, #tpu.memory_space<hbm>>) dst(%arg9 : memref<128x64xf32, #tpu.memory_space<vmem>>)
      %mul3A_200 = arith.constant 128 : i32
      %mul3A_201 = arith.muli %add3A_193, %mul3A_200 : i32
      %add3A_202 = arith.addi %mul3A_2, %mul3A_201 : i32
      %dma_start3A_203 = arith.constant 0 : i32
      %dma_start3A_204 = tpu.memref_slice %arg4[%add3A_202, %dma_start3A_203] : memref<327680x64xf32, #tpu.memory_space<hbm>> -> memref<128x64xf32, #tpu.memory_space<hbm>>
      %dma_start3A_205 = arith.constant 0 : i32
      %dma_start3A_206 = tpu.memref_slice %arg4[%add3A_202, %dma_start3A_205] : memref<327680x64xf32, #tpu.memory_space<hbm>> -> memref<128x64xf32, #tpu.memory_space<hbm>>
      tpu.enqueue_dma source(%arg9 : memref<128x64xf32, #tpu.memory_space<vmem>>) target(%dma_start3A_206 : memref<128x64xf32, #tpu.memory_space<hbm>>) target_semaphore(%arg13 : memref<!tpu.dma_semaphore, #tpu.memory_space<semaphore_mem>>)
      %dma_wait3A_207 = arith.constant 0 : i32
      %dma_wait3A_208 = tpu.memref_slice %arg4[%add3A_202, %dma_wait3A_207] : memref<327680x64xf32, #tpu.memory_space<hbm>> -> memref<128x64xf32, #tpu.memory_space<hbm>>
      %dma_wait3A_209 = arith.constant 0 : i32
      %dma_wait3A_210 = tpu.memref_slice %arg4[%add3A_202, %dma_wait3A_209] : memref<327680x64xf32, #tpu.memory_space<hbm>> -> memref<128x64xf32, #tpu.memory_space<hbm>>
      tpu.wait_dma2 semaphore(%arg13 : memref<!tpu.dma_semaphore, #tpu.memory_space<semaphore_mem>>) src(%arg9 : memref<128x64xf32, #tpu.memory_space<vmem>>) dst(%dma_wait3A_210 : memref<128x64xf32, #tpu.memory_space<hbm>>)
      %add3A_211 = arith.constant 4 : i32
      %add3A_212 = arith.addi %add3A_193, %add3A_211 : i32
      %dma_start3A_213 = arith.constant 0 : i32
      %dma_start3A_214 = tpu.memref_slice %arg5[%add3A_212, %dma_start3A_213] : memref<80x128xi32, #tpu.memory_space<vmem>> -> memref<1x128xi32, #tpu.memory_space<vmem>>
      %dma_start3A_215 = tpu.memref_squeeze %dma_start3A_214 : memref<1x128xi32, #tpu.memory_space<vmem>> -> memref<128xi32, #tpu.memory_space<vmem>>
      %dma_start3A_216 = arith.constant 0 : i32
      %dma_start3A_217 = arith.constant 0 : i32
      %dma_start3A_218 = tpu.memref_slice %arg2[%dma_start3A_216, %dma_start3A_217] : memref<106496x64xf32, #tpu.memory_space<hbm>> -> memref<106496x64xf32, #tpu.memory_space<hbm>>
      tpu.enqueue_indirect_dma source(%dma_start3A_218 : memref<106496x64xf32, #tpu.memory_space<hbm>>) target(%arg9 : memref<128x64xf32, #tpu.memory_space<vmem>>) offsets(%dma_start3A_215 : memref<128xi32, #tpu.memory_space<vmem>>) semaphore(%arg13 : memref<!tpu.dma_semaphore, #tpu.memory_space<semaphore_mem>>)
    }
    %scan3A_34 = arith.constant 19 : i32
    %dma_wait3A = arith.constant 76 : i32
    %dma_wait3A_35 = arith.constant 0 : i32
    %dma_wait3A_36 = tpu.memref_slice %arg5[%dma_wait3A, %dma_wait3A_35] : memref<80x128xi32, #tpu.memory_space<vmem>> -> memref<1x128xi32, #tpu.memory_space<vmem>>
    %dma_wait3A_37 = tpu.memref_squeeze %dma_wait3A_36 : memref<1x128xi32, #tpu.memory_space<vmem>> -> memref<128xi32, #tpu.memory_space<vmem>>
    %dma_wait3A_38 = arith.constant 0 : i32
    %dma_wait3A_39 = arith.constant 0 : i32
    %dma_wait3A_40 = tpu.memref_slice %arg2[%dma_wait3A_38, %dma_wait3A_39] : memref<106496x64xf32, #tpu.memory_space<hbm>> -> memref<106496x64xf32, #tpu.memory_space<hbm>>
    tpu.wait_indirect_dma semaphore(%arg10 : memref<!tpu.dma_semaphore, #tpu.memory_space<semaphore_mem>>) src(%dma_wait3A_40 : memref<106496x64xf32, #tpu.memory_space<hbm>>) dst(%arg6 : memref<128x64xf32, #tpu.memory_space<vmem>>)
    %add3A_41 = arith.constant 9728 : i32
    %add3A_42 = arith.addi %mul3A_2, %add3A_41 : i32
    %dma_start3A_43 = arith.constant 0 : i32
    %dma_start3A_44 = tpu.memref_slice %arg4[%add3A_42, %dma_start3A_43] : memref<327680x64xf32, #tpu.memory_space<hbm>> -> memref<128x64xf32, #tpu.memory_space<hbm>>
    %dma_start3A_45 = arith.constant 0 : i32
    %dma_start3A_46 = tpu.memref_slice %arg4[%add3A_42, %dma_start3A_45] : memref<327680x64xf32, #tpu.memory_space<hbm>> -> memref<128x64xf32, #tpu.memory_space<hbm>>
    tpu.enqueue_dma source(%arg6 : memref<128x64xf32, #tpu.memory_space<vmem>>) target(%dma_start3A_46 : memref<128x64xf32, #tpu.memory_space<hbm>>) target_semaphore(%arg10 : memref<!tpu.dma_semaphore, #tpu.memory_space<semaphore_mem>>)
    %dma_wait3A_47 = arith.constant 0 : i32
    %dma_wait3A_48 = tpu.memref_slice %arg4[%add3A_42, %dma_wait3A_47] : memref<327680x64xf32, #tpu.memory_space<hbm>> -> memref<128x64xf32, #tpu.memory_space<hbm>>
    %dma_wait3A_49 = arith.constant 0 : i32
    %dma_wait3A_50 = tpu.memref_slice %arg4[%add3A_42, %dma_wait3A_49] : memref<327680x64xf32, #tpu.memory_space<hbm>> -> memref<128x64xf32, #tpu.memory_space<hbm>>
    tpu.wait_dma2 semaphore(%arg10 : memref<!tpu.dma_semaphore, #tpu.memory_space<semaphore_mem>>) src(%arg6 : memref<128x64xf32, #tpu.memory_space<vmem>>) dst(%dma_wait3A_50 : memref<128x64xf32, #tpu.memory_space<hbm>>)
    %dma_wait3A_51 = arith.constant 77 : i32
    %dma_wait3A_52 = arith.constant 0 : i32
    %dma_wait3A_53 = tpu.memref_slice %arg5[%dma_wait3A_51, %dma_wait3A_52] : memref<80x128xi32, #tpu.memory_space<vmem>> -> memref<1x128xi32, #tpu.memory_space<vmem>>
    %dma_wait3A_54 = tpu.memref_squeeze %dma_wait3A_53 : memref<1x128xi32, #tpu.memory_space<vmem>> -> memref<128xi32, #tpu.memory_space<vmem>>
    %dma_wait3A_55 = arith.constant 0 : i32
    %dma_wait3A_56 = arith.constant 0 : i32
    %dma_wait3A_57 = tpu.memref_slice %arg2[%dma_wait3A_55, %dma_wait3A_56] : memref<106496x64xf32, #tpu.memory_space<hbm>> -> memref<106496x64xf32, #tpu.memory_space<hbm>>
    tpu.wait_indirect_dma semaphore(%arg11 : memref<!tpu.dma_semaphore, #tpu.memory_space<semaphore_mem>>) src(%dma_wait3A_57 : memref<106496x64xf32, #tpu.memory_space<hbm>>) dst(%arg7 : memref<128x64xf32, #tpu.memory_space<vmem>>)
    %add3A_58 = arith.constant 9856 : i32
    %add3A_59 = arith.addi %mul3A_2, %add3A_58 : i32
    %dma_start3A_60 = arith.constant 0 : i32
    %dma_start3A_61 = tpu.memref_slice %arg4[%add3A_59, %dma_start3A_60] : memref<327680x64xf32, #tpu.memory_space<hbm>> -> memref<128x64xf32, #tpu.memory_space<hbm>>
    %dma_start3A_62 = arith.constant 0 : i32
    %dma_start3A_63 = tpu.memref_slice %arg4[%add3A_59, %dma_start3A_62] : memref<327680x64xf32, #tpu.memory_space<hbm>> -> memref<128x64xf32, #tpu.memory_space<hbm>>
    tpu.enqueue_dma source(%arg7 : memref<128x64xf32, #tpu.memory_space<vmem>>) target(%dma_start3A_63 : memref<128x64xf32, #tpu.memory_space<hbm>>) target_semaphore(%arg11 : memref<!tpu.dma_semaphore, #tpu.memory_space<semaphore_mem>>)
    %dma_wait3A_64 = arith.constant 0 : i32
    %dma_wait3A_65 = tpu.memref_slice %arg4[%add3A_59, %dma_wait3A_64] : memref<327680x64xf32, #tpu.memory_space<hbm>> -> memref<128x64xf32, #tpu.memory_space<hbm>>
    %dma_wait3A_66 = arith.constant 0 : i32
    %dma_wait3A_67 = tpu.memref_slice %arg4[%add3A_59, %dma_wait3A_66] : memref<327680x64xf32, #tpu.memory_space<hbm>> -> memref<128x64xf32, #tpu.memory_space<hbm>>
    tpu.wait_dma2 semaphore(%arg11 : memref<!tpu.dma_semaphore, #tpu.memory_space<semaphore_mem>>) src(%arg7 : memref<128x64xf32, #tpu.memory_space<vmem>>) dst(%dma_wait3A_67 : memref<128x64xf32, #tpu.memory_space<hbm>>)
    %dma_wait3A_68 = arith.constant 78 : i32
    %dma_wait3A_69 = arith.constant 0 : i32
    %dma_wait3A_70 = tpu.memref_slice %arg5[%dma_wait3A_68, %dma_wait3A_69] : memref<80x128xi32, #tpu.memory_space<vmem>> -> memref<1x128xi32, #tpu.memory_space<vmem>>
    %dma_wait3A_71 = tpu.memref_squeeze %dma_wait3A_70 : memref<1x128xi32, #tpu.memory_space<vmem>> -> memref<128xi32, #tpu.memory_space<vmem>>
    %dma_wait3A_72 = arith.constant 0 : i32
    %dma_wait3A_73 = arith.constant 0 : i32
    %dma_wait3A_74 = tpu.memref_slice %arg2[%dma_wait3A_72, %dma_wait3A_73] : memref<106496x64xf32, #tpu.memory_space<hbm>> -> memref<106496x64xf32, #tpu.memory_space<hbm>>
    tpu.wait_indirect_dma semaphore(%arg12 : memref<!tpu.dma_semaphore, #tpu.memory_space<semaphore_mem>>) src(%dma_wait3A_74 : memref<106496x64xf32, #tpu.memory_space<hbm>>) dst(%arg8 : memref<128x64xf32, #tpu.memory_space<vmem>>)
    %add3A_75 = arith.constant 9984 : i32
    %add3A_76 = arith.addi %mul3A_2, %add3A_75 : i32
    %dma_start3A_77 = arith.constant 0 : i32
    %dma_start3A_78 = tpu.memref_slice %arg4[%add3A_76, %dma_start3A_77] : memref<327680x64xf32, #tpu.memory_space<hbm>> -> memref<128x64xf32, #tpu.memory_space<hbm>>
    %dma_start3A_79 = arith.constant 0 : i32
    %dma_start3A_80 = tpu.memref_slice %arg4[%add3A_76, %dma_start3A_79] : memref<327680x64xf32, #tpu.memory_space<hbm>> -> memref<128x64xf32, #tpu.memory_space<hbm>>
    tpu.enqueue_dma source(%arg8 : memref<128x64xf32, #tpu.memory_space<vmem>>) target(%dma_start3A_80 : memref<128x64xf32, #tpu.memory_space<hbm>>) target_semaphore(%arg12 : memref<!tpu.dma_semaphore, #tpu.memory_space<semaphore_mem>>)
    %dma_wait3A_81 = arith.constant 0 : i32
    %dma_wait3A_82 = tpu.memref_slice %arg4[%add3A_76, %dma_wait3A_81] : memref<327680x64xf32, #tpu.memory_space<hbm>> -> memref<128x64xf32, #tpu.memory_space<hbm>>
    %dma_wait3A_83 = arith.constant 0 : i32
    %dma_wait3A_84 = tpu.memref_slice %arg4[%add3A_76, %dma_wait3A_83] : memref<327680x64xf32, #tpu.memory_space<hbm>> -> memref<128x64xf32, #tpu.memory_space<hbm>>
    tpu.wait_dma2 semaphore(%arg12 : memref<!tpu.dma_semaphore, #tpu.memory_space<semaphore_mem>>) src(%arg8 : memref<128x64xf32, #tpu.memory_space<vmem>>) dst(%dma_wait3A_84 : memref<128x64xf32, #tpu.memory_space<hbm>>)
    %dma_wait3A_85 = arith.constant 79 : i32
    %dma_wait3A_86 = arith.constant 0 : i32
    %dma_wait3A_87 = tpu.memref_slice %arg5[%dma_wait3A_85, %dma_wait3A_86] : memref<80x128xi32, #tpu.memory_space<vmem>> -> memref<1x128xi32, #tpu.memory_space<vmem>>
    %dma_wait3A_88 = tpu.memref_squeeze %dma_wait3A_87 : memref<1x128xi32, #tpu.memory_space<vmem>> -> memref<128xi32, #tpu.memory_space<vmem>>
    %dma_wait3A_89 = arith.constant 0 : i32
    %dma_wait3A_90 = arith.constant 0 : i32
    %dma_wait3A_91 = tpu.memref_slice %arg2[%dma_wait3A_89, %dma_wait3A_90] : memref<106496x64xf32, #tpu.memory_space<hbm>> -> memref<106496x64xf32, #tpu.memory_space<hbm>>
    tpu.wait_indirect_dma semaphore(%arg13 : memref<!tpu.dma_semaphore, #tpu.memory_space<semaphore_mem>>) src(%dma_wait3A_91 : memref<106496x64xf32, #tpu.memory_space<hbm>>) dst(%arg9 : memref<128x64xf32, #tpu.memory_space<vmem>>)
    %add3A_92 = arith.constant 10112 : i32
    %add3A_93 = arith.addi %mul3A_2, %add3A_92 : i32
    %dma_start3A_94 = arith.constant 0 : i32
    %dma_start3A_95 = tpu.memref_slice %arg4[%add3A_93, %dma_start3A_94] : memref<327680x64xf32, #tpu.memory_space<hbm>> -> memref<128x64xf32, #tpu.memory_space<hbm>>
    %dma_start3A_96 = arith.constant 0 : i32
    %dma_start3A_97 = tpu.memref_slice %arg4[%add3A_93, %dma_start3A_96] : memref<327680x64xf32, #tpu.memory_space<hbm>> -> memref<128x64xf32, #tpu.memory_space<hbm>>
    tpu.enqueue_dma source(%arg9 : memref<128x64xf32, #tpu.memory_space<vmem>>) target(%dma_start3A_97 : memref<128x64xf32, #tpu.memory_space<hbm>>) target_semaphore(%arg13 : memref<!tpu.dma_semaphore, #tpu.memory_space<semaphore_mem>>)
    %dma_wait3A_98 = arith.constant 0 : i32
    %dma_wait3A_99 = tpu.memref_slice %arg4[%add3A_93, %dma_wait3A_98] : memref<327680x64xf32, #tpu.memory_space<hbm>> -> memref<128x64xf32, #tpu.memory_space<hbm>>
    %dma_wait3A_100 = arith.constant 0 : i32
    %dma_wait3A_101 = tpu.memref_slice %arg4[%add3A_93, %dma_wait3A_100] : memref<327680x64xf32, #tpu.memory_space<hbm>> -> memref<128x64xf32, #tpu.memory_space<hbm>>
    tpu.wait_dma2 semaphore(%arg13 : memref<!tpu.dma_semaphore, #tpu.memory_space<semaphore_mem>>) src(%arg9 : memref<128x64xf32, #tpu.memory_space<vmem>>) dst(%dma_wait3A_101 : memref<128x64xf32, #tpu.memory_space<hbm>>)
    return
  }
}

#map = affine_map<(d0, d1) -> (0, 0)>
#map1 = affine_map<(d0, d1) -> (0, 0, 0)>
module attributes {stable_mosaic.version = 14 : i64} {
  func.func @_sc_gather(%arg0: i32, %arg1: i32, %arg2: memref<1007616x64xf32, #tpu.memory_space<hbm>>, %arg3: memref<32x80x128xi32, #tpu.memory_space<hbm>>, %arg4: memref<327680x64xf32, #tpu.memory_space<hbm>>, %arg5: memref<80x128xi32, #tpu.memory_space<vmem>>, %arg6: memref<128x64xf32, #tpu.memory_space<vmem>>, %arg7: memref<128x64xf32, #tpu.memory_space<vmem>>, %arg8: memref<128x64xf32, #tpu.memory_space<vmem>>, %arg9: memref<128x64xf32, #tpu.memory_space<vmem>>, %arg10: memref<!tpu.dma_semaphore, #tpu.memory_space<semaphore_mem>>, %arg11: memref<!tpu.dma_semaphore, #tpu.memory_space<semaphore_mem>>, %arg12: memref<!tpu.dma_semaphore, #tpu.memory_space<semaphore_mem>>, %arg13: memref<!tpu.dma_semaphore, #tpu.memory_space<semaphore_mem>>) attributes {dimension_semantics = [#tpu.dimension_semantics<core_parallel>, #tpu.dimension_semantics<subcore_parallel>], iteration_bounds = array<i64: 2, 16>, scalar_prefetch = 0 : i64, scratch_operands = 9 : i64, tpu.core_type = #tpu.core_type<sc_vector_subcore>, window_params = [{transform_indices = #map}, {transform_indices = #map1}, {transform_indices = #map}]} {
    %mul3A = arith.constant 2 : i32
    %mul3A_0 = arith.muli %arg1, %mul3A : i32
    %add3A = arith.addi %mul3A_0, %arg0 : i32
    %mul3A_1 = arith.constant 10240 : i32
    %mul3A_2 = arith.muli %add3A, %mul3A_1 : i32
    "tpu.region"() ({
      %run_scoped3A = tpu.sem_alloc : memref<!tpu.dma_semaphore, #tpu.memory_space<semaphore_mem>>
      %dma_start3A_102 = arith.constant 0 : i32
      %dma_start3A_103 = arith.constant 0 : i32
      %dma_start3A_104 = tpu.memref_slice %arg3[%add3A, %dma_start3A_102, %dma_start3A_103] : memref<32x80x128xi32, #tpu.memory_space<hbm>> -> memref<1x80x128xi32, #tpu.memory_space<hbm>>
      %dma_start3A_105 = tpu.memref_squeeze %dma_start3A_104 : memref<1x80x128xi32, #tpu.memory_space<hbm>> -> memref<80x128xi32, #tpu.memory_space<hbm>>
      %dma_start3A_106 = arith.constant 0 : i32
      %dma_start3A_107 = arith.constant 0 : i32
      %dma_start3A_108 = tpu.memref_slice %arg3[%add3A, %dma_start3A_106, %dma_start3A_107] : memref<32x80x128xi32, #tpu.memory_space<hbm>> -> memref<1x80x128xi32, #tpu.memory_space<hbm>>
      %dma_start3A_109 = tpu.memref_squeeze %dma_start3A_108 : memref<1x80x128xi32, #tpu.memory_space<hbm>> -> memref<80x128xi32, #tpu.memory_space<hbm>>
      tpu.enqueue_dma source(%dma_start3A_109 : memref<80x128xi32, #tpu.memory_space<hbm>>) target(%arg5 : memref<80x128xi32, #tpu.memory_space<vmem>>) target_semaphore(%run_scoped3A : memref<!tpu.dma_semaphore, #tpu.memory_space<semaphore_mem>>)
      %dma_wait3A_110 = arith.constant 0 : i32
      %dma_wait3A_111 = arith.constant 0 : i32
      %dma_wait3A_112 = tpu.memref_slice %arg3[%add3A, %dma_wait3A_110, %dma_wait3A_111] : memref<32x80x128xi32, #tpu.memory_space<hbm>> -> memref<1x80x128xi32, #tpu.memory_space<hbm>>
      %dma_wait3A_113 = tpu.memref_squeeze %dma_wait3A_112 : memref<1x80x128xi32, #tpu.memory_space<hbm>> -> memref<80x128xi32, #tpu.memory_space<hbm>>
      %dma_wait3A_114 = arith.constant 0 : i32
      %dma_wait3A_115 = arith.constant 0 : i32
      %dma_wait3A_116 = tpu.memref_slice %arg3[%add3A, %dma_wait3A_114, %dma_wait3A_115] : memref<32x80x128xi32, #tpu.memory_space<hbm>> -> memref<1x80x128xi32, #tpu.memory_space<hbm>>
      %dma_wait3A_117 = tpu.memref_squeeze %dma_wait3A_116 : memref<1x80x128xi32, #tpu.memory_space<hbm>> -> memref<80x128xi32, #tpu.memory_space<hbm>>
      tpu.wait_dma2 semaphore(%run_scoped3A : memref<!tpu.dma_semaphore, #tpu.memory_space<semaphore_mem>>) src(%dma_wait3A_117 : memref<80x128xi32, #tpu.memory_space<hbm>>) dst(%arg5 : memref<80x128xi32, #tpu.memory_space<vmem>>)
      tpu.yield
    }) : () -> ()
    %dma_start3A = arith.constant 0 : i32
    %dma_start3A_3 = arith.constant 0 : i32
    %dma_start3A_4 = tpu.memref_slice %arg5[%dma_start3A, %dma_start3A_3] : memref<80x128xi32, #tpu.memory_space<vmem>> -> memref<1x128xi32, #tpu.memory_space<vmem>>
    %dma_start3A_5 = tpu.memref_squeeze %dma_start3A_4 : memref<1x128xi32, #tpu.memory_space<vmem>> -> memref<128xi32, #tpu.memory_space<vmem>>
    %dma_start3A_6 = arith.constant 0 : i32
    %dma_start3A_7 = arith.constant 0 : i32
    %dma_start3A_8 = tpu.memref_slice %arg2[%dma_start3A_6, %dma_start3A_7] : memref<1007616x64xf32, #tpu.memory_space<hbm>> -> memref<1007616x64xf32, #tpu.memory_space<hbm>>
    tpu.enqueue_indirect_dma source(%dma_start3A_8 : memref<1007616x64xf32, #tpu.memory_space<hbm>>) target(%arg6 : memref<128x64xf32, #tpu.memory_space<vmem>>) offsets(%dma_start3A_5 : memref<128xi32, #tpu.memory_space<vmem>>) semaphore(%arg10 : memref<!tpu.dma_semaphore, #tpu.memory_space<semaphore_mem>>)
    %dma_start3A_9 = arith.constant 1 : i32
    %dma_start3A_10 = arith.constant 0 : i32
    %dma_start3A_11 = tpu.memref_slice %arg5[%dma_start3A_9, %dma_start3A_10] : memref<80x128xi32, #tpu.memory_space<vmem>> -> memref<1x128xi32, #tpu.memory_space<vmem>>
    %dma_start3A_12 = tpu.memref_squeeze %dma_start3A_11 : memref<1x128xi32, #tpu.memory_space<vmem>> -> memref<128xi32, #tpu.memory_space<vmem>>
    %dma_start3A_13 = arith.constant 0 : i32
    %dma_start3A_14 = arith.constant 0 : i32
    %dma_start3A_15 = tpu.memref_slice %arg2[%dma_start3A_13, %dma_start3A_14] : memref<1007616x64xf32, #tpu.memory_space<hbm>> -> memref<1007616x64xf32, #tpu.memory_space<hbm>>
    tpu.enqueue_indirect_dma source(%dma_start3A_15 : memref<1007616x64xf32, #tpu.memory_space<hbm>>) target(%arg7 : memref<128x64xf32, #tpu.memory_space<vmem>>) offsets(%dma_start3A_12 : memref<128xi32, #tpu.memory_space<vmem>>) semaphore(%arg11 : memref<!tpu.dma_semaphore, #tpu.memory_space<semaphore_mem>>)
    %dma_start3A_16 = arith.constant 2 : i32
    %dma_start3A_17 = arith.constant 0 : i32
    %dma_start3A_18 = tpu.memref_slice %arg5[%dma_start3A_16, %dma_start3A_17] : memref<80x128xi32, #tpu.memory_space<vmem>> -> memref<1x128xi32, #tpu.memory_space<vmem>>
    %dma_start3A_19 = tpu.memref_squeeze %dma_start3A_18 : memref<1x128xi32, #tpu.memory_space<vmem>> -> memref<128xi32, #tpu.memory_space<vmem>>
    %dma_start3A_20 = arith.constant 0 : i32
    %dma_start3A_21 = arith.constant 0 : i32
    %dma_start3A_22 = tpu.memref_slice %arg2[%dma_start3A_20, %dma_start3A_21] : memref<1007616x64xf32, #tpu.memory_space<hbm>> -> memref<1007616x64xf32, #tpu.memory_space<hbm>>
    tpu.enqueue_indirect_dma source(%dma_start3A_22 : memref<1007616x64xf32, #tpu.memory_space<hbm>>) target(%arg8 : memref<128x64xf32, #tpu.memory_space<vmem>>) offsets(%dma_start3A_19 : memref<128xi32, #tpu.memory_space<vmem>>) semaphore(%arg12 : memref<!tpu.dma_semaphore, #tpu.memory_space<semaphore_mem>>)
    %dma_start3A_23 = arith.constant 3 : i32
    %dma_start3A_24 = arith.constant 0 : i32
    %dma_start3A_25 = tpu.memref_slice %arg5[%dma_start3A_23, %dma_start3A_24] : memref<80x128xi32, #tpu.memory_space<vmem>> -> memref<1x128xi32, #tpu.memory_space<vmem>>
    %dma_start3A_26 = tpu.memref_squeeze %dma_start3A_25 : memref<1x128xi32, #tpu.memory_space<vmem>> -> memref<128xi32, #tpu.memory_space<vmem>>
    %dma_start3A_27 = arith.constant 0 : i32
    %dma_start3A_28 = arith.constant 0 : i32
    %dma_start3A_29 = tpu.memref_slice %arg2[%dma_start3A_27, %dma_start3A_28] : memref<1007616x64xf32, #tpu.memory_space<hbm>> -> memref<1007616x64xf32, #tpu.memory_space<hbm>>
    tpu.enqueue_indirect_dma source(%dma_start3A_29 : memref<1007616x64xf32, #tpu.memory_space<hbm>>) target(%arg9 : memref<128x64xf32, #tpu.memory_space<vmem>>) offsets(%dma_start3A_26 : memref<128xi32, #tpu.memory_space<vmem>>) semaphore(%arg13 : memref<!tpu.dma_semaphore, #tpu.memory_space<semaphore_mem>>)
    %scan3A = arith.constant 0 : i32
    %scan3A_30 = arith.constant 0 : i32
    %scan3A_31 = arith.constant 19 : i32
    %scan3A_32 = arith.addi %scan3A_30, %scan3A_31 : i32
    %scan3A_33 = arith.constant 1 : i32
    scf.for %scan3A_102 = %scan3A_30 to %scan3A_32 step %scan3A_33  : i32 {
      %mul3A_103 = arith.constant 4 : i32
      %mul3A_104 = arith.muli %scan3A_102, %mul3A_103 : i32
      %add3A_105 = arith.constant 0 : i32
      %add3A_106 = arith.addi %mul3A_104, %add3A_105 : i32
      %dma_wait3A_107 = arith.constant 0 : i32
      %dma_wait3A_108 = tpu.memref_slice %arg5[%add3A_106, %dma_wait3A_107] : memref<80x128xi32, #tpu.memory_space<vmem>> -> memref<1x128xi32, #tpu.memory_space<vmem>>
      %dma_wait3A_109 = tpu.memref_squeeze %dma_wait3A_108 : memref<1x128xi32, #tpu.memory_space<vmem>> -> memref<128xi32, #tpu.memory_space<vmem>>
      %dma_wait3A_110 = arith.constant 0 : i32
      %dma_wait3A_111 = arith.constant 0 : i32
      %dma_wait3A_112 = tpu.memref_slice %arg2[%dma_wait3A_110, %dma_wait3A_111] : memref<1007616x64xf32, #tpu.memory_space<hbm>> -> memref<1007616x64xf32, #tpu.memory_space<hbm>>
      tpu.wait_indirect_dma semaphore(%arg10 : memref<!tpu.dma_semaphore, #tpu.memory_space<semaphore_mem>>) src(%dma_wait3A_112 : memref<1007616x64xf32, #tpu.memory_space<hbm>>) dst(%arg6 : memref<128x64xf32, #tpu.memory_space<vmem>>)
      %mul3A_113 = arith.constant 128 : i32
      %mul3A_114 = arith.muli %add3A_106, %mul3A_113 : i32
      %add3A_115 = arith.addi %mul3A_2, %mul3A_114 : i32
      %dma_start3A_116 = arith.constant 0 : i32
      %dma_start3A_117 = tpu.memref_slice %arg4[%add3A_115, %dma_start3A_116] : memref<327680x64xf32, #tpu.memory_space<hbm>> -> memref<128x64xf32, #tpu.memory_space<hbm>>
      %dma_start3A_118 = arith.constant 0 : i32
      %dma_start3A_119 = tpu.memref_slice %arg4[%add3A_115, %dma_start3A_118] : memref<327680x64xf32, #tpu.memory_space<hbm>> -> memref<128x64xf32, #tpu.memory_space<hbm>>
      tpu.enqueue_dma source(%arg6 : memref<128x64xf32, #tpu.memory_space<vmem>>) target(%dma_start3A_119 : memref<128x64xf32, #tpu.memory_space<hbm>>) target_semaphore(%arg10 : memref<!tpu.dma_semaphore, #tpu.memory_space<semaphore_mem>>)
      %dma_wait3A_120 = arith.constant 0 : i32
      %dma_wait3A_121 = tpu.memref_slice %arg4[%add3A_115, %dma_wait3A_120] : memref<327680x64xf32, #tpu.memory_space<hbm>> -> memref<128x64xf32, #tpu.memory_space<hbm>>
      %dma_wait3A_122 = arith.constant 0 : i32
      %dma_wait3A_123 = tpu.memref_slice %arg4[%add3A_115, %dma_wait3A_122] : memref<327680x64xf32, #tpu.memory_space<hbm>> -> memref<128x64xf32, #tpu.memory_space<hbm>>
      tpu.wait_dma2 semaphore(%arg10 : memref<!tpu.dma_semaphore, #tpu.memory_space<semaphore_mem>>) src(%arg6 : memref<128x64xf32, #tpu.memory_space<vmem>>) dst(%dma_wait3A_123 : memref<128x64xf32, #tpu.memory_space<hbm>>)
      %add3A_124 = arith.constant 4 : i32
      %add3A_125 = arith.addi %add3A_106, %add3A_124 : i32
      %dma_start3A_126 = arith.constant 0 : i32
      %dma_start3A_127 = tpu.memref_slice %arg5[%add3A_125, %dma_start3A_126] : memref<80x128xi32, #tpu.memory_space<vmem>> -> memref<1x128xi32, #tpu.memory_space<vmem>>
      %dma_start3A_128 = tpu.memref_squeeze %dma_start3A_127 : memref<1x128xi32, #tpu.memory_space<vmem>> -> memref<128xi32, #tpu.memory_space<vmem>>
      %dma_start3A_129 = arith.constant 0 : i32
      %dma_start3A_130 = arith.constant 0 : i32
      %dma_start3A_131 = tpu.memref_slice %arg2[%dma_start3A_129, %dma_start3A_130] : memref<1007616x64xf32, #tpu.memory_space<hbm>> -> memref<1007616x64xf32, #tpu.memory_space<hbm>>
      tpu.enqueue_indirect_dma source(%dma_start3A_131 : memref<1007616x64xf32, #tpu.memory_space<hbm>>) target(%arg6 : memref<128x64xf32, #tpu.memory_space<vmem>>) offsets(%dma_start3A_128 : memref<128xi32, #tpu.memory_space<vmem>>) semaphore(%arg10 : memref<!tpu.dma_semaphore, #tpu.memory_space<semaphore_mem>>)
      %mul3A_132 = arith.constant 4 : i32
      %mul3A_133 = arith.muli %scan3A_102, %mul3A_132 : i32
      %add3A_134 = arith.constant 1 : i32
      %add3A_135 = arith.addi %mul3A_133, %add3A_134 : i32
      %dma_wait3A_136 = arith.constant 0 : i32
      %dma_wait3A_137 = tpu.memref_slice %arg5[%add3A_135, %dma_wait3A_136] : memref<80x128xi32, #tpu.memory_space<vmem>> -> memref<1x128xi32, #tpu.memory_space<vmem>>
      %dma_wait3A_138 = tpu.memref_squeeze %dma_wait3A_137 : memref<1x128xi32, #tpu.memory_space<vmem>> -> memref<128xi32, #tpu.memory_space<vmem>>
      %dma_wait3A_139 = arith.constant 0 : i32
      %dma_wait3A_140 = arith.constant 0 : i32
      %dma_wait3A_141 = tpu.memref_slice %arg2[%dma_wait3A_139, %dma_wait3A_140] : memref<1007616x64xf32, #tpu.memory_space<hbm>> -> memref<1007616x64xf32, #tpu.memory_space<hbm>>
      tpu.wait_indirect_dma semaphore(%arg11 : memref<!tpu.dma_semaphore, #tpu.memory_space<semaphore_mem>>) src(%dma_wait3A_141 : memref<1007616x64xf32, #tpu.memory_space<hbm>>) dst(%arg7 : memref<128x64xf32, #tpu.memory_space<vmem>>)
      %mul3A_142 = arith.constant 128 : i32
      %mul3A_143 = arith.muli %add3A_135, %mul3A_142 : i32
      %add3A_144 = arith.addi %mul3A_2, %mul3A_143 : i32
      %dma_start3A_145 = arith.constant 0 : i32
      %dma_start3A_146 = tpu.memref_slice %arg4[%add3A_144, %dma_start3A_145] : memref<327680x64xf32, #tpu.memory_space<hbm>> -> memref<128x64xf32, #tpu.memory_space<hbm>>
      %dma_start3A_147 = arith.constant 0 : i32
      %dma_start3A_148 = tpu.memref_slice %arg4[%add3A_144, %dma_start3A_147] : memref<327680x64xf32, #tpu.memory_space<hbm>> -> memref<128x64xf32, #tpu.memory_space<hbm>>
      tpu.enqueue_dma source(%arg7 : memref<128x64xf32, #tpu.memory_space<vmem>>) target(%dma_start3A_148 : memref<128x64xf32, #tpu.memory_space<hbm>>) target_semaphore(%arg11 : memref<!tpu.dma_semaphore, #tpu.memory_space<semaphore_mem>>)
      %dma_wait3A_149 = arith.constant 0 : i32
      %dma_wait3A_150 = tpu.memref_slice %arg4[%add3A_144, %dma_wait3A_149] : memref<327680x64xf32, #tpu.memory_space<hbm>> -> memref<128x64xf32, #tpu.memory_space<hbm>>
      %dma_wait3A_151 = arith.constant 0 : i32
      %dma_wait3A_152 = tpu.memref_slice %arg4[%add3A_144, %dma_wait3A_151] : memref<327680x64xf32, #tpu.memory_space<hbm>> -> memref<128x64xf32, #tpu.memory_space<hbm>>
      tpu.wait_dma2 semaphore(%arg11 : memref<!tpu.dma_semaphore, #tpu.memory_space<semaphore_mem>>) src(%arg7 : memref<128x64xf32, #tpu.memory_space<vmem>>) dst(%dma_wait3A_152 : memref<128x64xf32, #tpu.memory_space<hbm>>)
      %add3A_153 = arith.constant 4 : i32
      %add3A_154 = arith.addi %add3A_135, %add3A_153 : i32
      %dma_start3A_155 = arith.constant 0 : i32
      %dma_start3A_156 = tpu.memref_slice %arg5[%add3A_154, %dma_start3A_155] : memref<80x128xi32, #tpu.memory_space<vmem>> -> memref<1x128xi32, #tpu.memory_space<vmem>>
      %dma_start3A_157 = tpu.memref_squeeze %dma_start3A_156 : memref<1x128xi32, #tpu.memory_space<vmem>> -> memref<128xi32, #tpu.memory_space<vmem>>
      %dma_start3A_158 = arith.constant 0 : i32
      %dma_start3A_159 = arith.constant 0 : i32
      %dma_start3A_160 = tpu.memref_slice %arg2[%dma_start3A_158, %dma_start3A_159] : memref<1007616x64xf32, #tpu.memory_space<hbm>> -> memref<1007616x64xf32, #tpu.memory_space<hbm>>
      tpu.enqueue_indirect_dma source(%dma_start3A_160 : memref<1007616x64xf32, #tpu.memory_space<hbm>>) target(%arg7 : memref<128x64xf32, #tpu.memory_space<vmem>>) offsets(%dma_start3A_157 : memref<128xi32, #tpu.memory_space<vmem>>) semaphore(%arg11 : memref<!tpu.dma_semaphore, #tpu.memory_space<semaphore_mem>>)
      %mul3A_161 = arith.constant 4 : i32
      %mul3A_162 = arith.muli %scan3A_102, %mul3A_161 : i32
      %add3A_163 = arith.constant 2 : i32
      %add3A_164 = arith.addi %mul3A_162, %add3A_163 : i32
      %dma_wait3A_165 = arith.constant 0 : i32
      %dma_wait3A_166 = tpu.memref_slice %arg5[%add3A_164, %dma_wait3A_165] : memref<80x128xi32, #tpu.memory_space<vmem>> -> memref<1x128xi32, #tpu.memory_space<vmem>>
      %dma_wait3A_167 = tpu.memref_squeeze %dma_wait3A_166 : memref<1x128xi32, #tpu.memory_space<vmem>> -> memref<128xi32, #tpu.memory_space<vmem>>
      %dma_wait3A_168 = arith.constant 0 : i32
      %dma_wait3A_169 = arith.constant 0 : i32
      %dma_wait3A_170 = tpu.memref_slice %arg2[%dma_wait3A_168, %dma_wait3A_169] : memref<1007616x64xf32, #tpu.memory_space<hbm>> -> memref<1007616x64xf32, #tpu.memory_space<hbm>>
      tpu.wait_indirect_dma semaphore(%arg12 : memref<!tpu.dma_semaphore, #tpu.memory_space<semaphore_mem>>) src(%dma_wait3A_170 : memref<1007616x64xf32, #tpu.memory_space<hbm>>) dst(%arg8 : memref<128x64xf32, #tpu.memory_space<vmem>>)
      %mul3A_171 = arith.constant 128 : i32
      %mul3A_172 = arith.muli %add3A_164, %mul3A_171 : i32
      %add3A_173 = arith.addi %mul3A_2, %mul3A_172 : i32
      %dma_start3A_174 = arith.constant 0 : i32
      %dma_start3A_175 = tpu.memref_slice %arg4[%add3A_173, %dma_start3A_174] : memref<327680x64xf32, #tpu.memory_space<hbm>> -> memref<128x64xf32, #tpu.memory_space<hbm>>
      %dma_start3A_176 = arith.constant 0 : i32
      %dma_start3A_177 = tpu.memref_slice %arg4[%add3A_173, %dma_start3A_176] : memref<327680x64xf32, #tpu.memory_space<hbm>> -> memref<128x64xf32, #tpu.memory_space<hbm>>
      tpu.enqueue_dma source(%arg8 : memref<128x64xf32, #tpu.memory_space<vmem>>) target(%dma_start3A_177 : memref<128x64xf32, #tpu.memory_space<hbm>>) target_semaphore(%arg12 : memref<!tpu.dma_semaphore, #tpu.memory_space<semaphore_mem>>)
      %dma_wait3A_178 = arith.constant 0 : i32
      %dma_wait3A_179 = tpu.memref_slice %arg4[%add3A_173, %dma_wait3A_178] : memref<327680x64xf32, #tpu.memory_space<hbm>> -> memref<128x64xf32, #tpu.memory_space<hbm>>
      %dma_wait3A_180 = arith.constant 0 : i32
      %dma_wait3A_181 = tpu.memref_slice %arg4[%add3A_173, %dma_wait3A_180] : memref<327680x64xf32, #tpu.memory_space<hbm>> -> memref<128x64xf32, #tpu.memory_space<hbm>>
      tpu.wait_dma2 semaphore(%arg12 : memref<!tpu.dma_semaphore, #tpu.memory_space<semaphore_mem>>) src(%arg8 : memref<128x64xf32, #tpu.memory_space<vmem>>) dst(%dma_wait3A_181 : memref<128x64xf32, #tpu.memory_space<hbm>>)
      %add3A_182 = arith.constant 4 : i32
      %add3A_183 = arith.addi %add3A_164, %add3A_182 : i32
      %dma_start3A_184 = arith.constant 0 : i32
      %dma_start3A_185 = tpu.memref_slice %arg5[%add3A_183, %dma_start3A_184] : memref<80x128xi32, #tpu.memory_space<vmem>> -> memref<1x128xi32, #tpu.memory_space<vmem>>
      %dma_start3A_186 = tpu.memref_squeeze %dma_start3A_185 : memref<1x128xi32, #tpu.memory_space<vmem>> -> memref<128xi32, #tpu.memory_space<vmem>>
      %dma_start3A_187 = arith.constant 0 : i32
      %dma_start3A_188 = arith.constant 0 : i32
      %dma_start3A_189 = tpu.memref_slice %arg2[%dma_start3A_187, %dma_start3A_188] : memref<1007616x64xf32, #tpu.memory_space<hbm>> -> memref<1007616x64xf32, #tpu.memory_space<hbm>>
      tpu.enqueue_indirect_dma source(%dma_start3A_189 : memref<1007616x64xf32, #tpu.memory_space<hbm>>) target(%arg8 : memref<128x64xf32, #tpu.memory_space<vmem>>) offsets(%dma_start3A_186 : memref<128xi32, #tpu.memory_space<vmem>>) semaphore(%arg12 : memref<!tpu.dma_semaphore, #tpu.memory_space<semaphore_mem>>)
      %mul3A_190 = arith.constant 4 : i32
      %mul3A_191 = arith.muli %scan3A_102, %mul3A_190 : i32
      %add3A_192 = arith.constant 3 : i32
      %add3A_193 = arith.addi %mul3A_191, %add3A_192 : i32
      %dma_wait3A_194 = arith.constant 0 : i32
      %dma_wait3A_195 = tpu.memref_slice %arg5[%add3A_193, %dma_wait3A_194] : memref<80x128xi32, #tpu.memory_space<vmem>> -> memref<1x128xi32, #tpu.memory_space<vmem>>
      %dma_wait3A_196 = tpu.memref_squeeze %dma_wait3A_195 : memref<1x128xi32, #tpu.memory_space<vmem>> -> memref<128xi32, #tpu.memory_space<vmem>>
      %dma_wait3A_197 = arith.constant 0 : i32
      %dma_wait3A_198 = arith.constant 0 : i32
      %dma_wait3A_199 = tpu.memref_slice %arg2[%dma_wait3A_197, %dma_wait3A_198] : memref<1007616x64xf32, #tpu.memory_space<hbm>> -> memref<1007616x64xf32, #tpu.memory_space<hbm>>
      tpu.wait_indirect_dma semaphore(%arg13 : memref<!tpu.dma_semaphore, #tpu.memory_space<semaphore_mem>>) src(%dma_wait3A_199 : memref<1007616x64xf32, #tpu.memory_space<hbm>>) dst(%arg9 : memref<128x64xf32, #tpu.memory_space<vmem>>)
      %mul3A_200 = arith.constant 128 : i32
      %mul3A_201 = arith.muli %add3A_193, %mul3A_200 : i32
      %add3A_202 = arith.addi %mul3A_2, %mul3A_201 : i32
      %dma_start3A_203 = arith.constant 0 : i32
      %dma_start3A_204 = tpu.memref_slice %arg4[%add3A_202, %dma_start3A_203] : memref<327680x64xf32, #tpu.memory_space<hbm>> -> memref<128x64xf32, #tpu.memory_space<hbm>>
      %dma_start3A_205 = arith.constant 0 : i32
      %dma_start3A_206 = tpu.memref_slice %arg4[%add3A_202, %dma_start3A_205] : memref<327680x64xf32, #tpu.memory_space<hbm>> -> memref<128x64xf32, #tpu.memory_space<hbm>>
      tpu.enqueue_dma source(%arg9 : memref<128x64xf32, #tpu.memory_space<vmem>>) target(%dma_start3A_206 : memref<128x64xf32, #tpu.memory_space<hbm>>) target_semaphore(%arg13 : memref<!tpu.dma_semaphore, #tpu.memory_space<semaphore_mem>>)
      %dma_wait3A_207 = arith.constant 0 : i32
      %dma_wait3A_208 = tpu.memref_slice %arg4[%add3A_202, %dma_wait3A_207] : memref<327680x64xf32, #tpu.memory_space<hbm>> -> memref<128x64xf32, #tpu.memory_space<hbm>>
      %dma_wait3A_209 = arith.constant 0 : i32
      %dma_wait3A_210 = tpu.memref_slice %arg4[%add3A_202, %dma_wait3A_209] : memref<327680x64xf32, #tpu.memory_space<hbm>> -> memref<128x64xf32, #tpu.memory_space<hbm>>
      tpu.wait_dma2 semaphore(%arg13 : memref<!tpu.dma_semaphore, #tpu.memory_space<semaphore_mem>>) src(%arg9 : memref<128x64xf32, #tpu.memory_space<vmem>>) dst(%dma_wait3A_210 : memref<128x64xf32, #tpu.memory_space<hbm>>)
      %add3A_211 = arith.constant 4 : i32
      %add3A_212 = arith.addi %add3A_193, %add3A_211 : i32
      %dma_start3A_213 = arith.constant 0 : i32
      %dma_start3A_214 = tpu.memref_slice %arg5[%add3A_212, %dma_start3A_213] : memref<80x128xi32, #tpu.memory_space<vmem>> -> memref<1x128xi32, #tpu.memory_space<vmem>>
      %dma_start3A_215 = tpu.memref_squeeze %dma_start3A_214 : memref<1x128xi32, #tpu.memory_space<vmem>> -> memref<128xi32, #tpu.memory_space<vmem>>
      %dma_start3A_216 = arith.constant 0 : i32
      %dma_start3A_217 = arith.constant 0 : i32
      %dma_start3A_218 = tpu.memref_slice %arg2[%dma_start3A_216, %dma_start3A_217] : memref<1007616x64xf32, #tpu.memory_space<hbm>> -> memref<1007616x64xf32, #tpu.memory_space<hbm>>
      tpu.enqueue_indirect_dma source(%dma_start3A_218 : memref<1007616x64xf32, #tpu.memory_space<hbm>>) target(%arg9 : memref<128x64xf32, #tpu.memory_space<vmem>>) offsets(%dma_start3A_215 : memref<128xi32, #tpu.memory_space<vmem>>) semaphore(%arg13 : memref<!tpu.dma_semaphore, #tpu.memory_space<semaphore_mem>>)
    }
    %scan3A_34 = arith.constant 19 : i32
    %dma_wait3A = arith.constant 76 : i32
    %dma_wait3A_35 = arith.constant 0 : i32
    %dma_wait3A_36 = tpu.memref_slice %arg5[%dma_wait3A, %dma_wait3A_35] : memref<80x128xi32, #tpu.memory_space<vmem>> -> memref<1x128xi32, #tpu.memory_space<vmem>>
    %dma_wait3A_37 = tpu.memref_squeeze %dma_wait3A_36 : memref<1x128xi32, #tpu.memory_space<vmem>> -> memref<128xi32, #tpu.memory_space<vmem>>
    %dma_wait3A_38 = arith.constant 0 : i32
    %dma_wait3A_39 = arith.constant 0 : i32
    %dma_wait3A_40 = tpu.memref_slice %arg2[%dma_wait3A_38, %dma_wait3A_39] : memref<1007616x64xf32, #tpu.memory_space<hbm>> -> memref<1007616x64xf32, #tpu.memory_space<hbm>>
    tpu.wait_indirect_dma semaphore(%arg10 : memref<!tpu.dma_semaphore, #tpu.memory_space<semaphore_mem>>) src(%dma_wait3A_40 : memref<1007616x64xf32, #tpu.memory_space<hbm>>) dst(%arg6 : memref<128x64xf32, #tpu.memory_space<vmem>>)
    %add3A_41 = arith.constant 9728 : i32
    %add3A_42 = arith.addi %mul3A_2, %add3A_41 : i32
    %dma_start3A_43 = arith.constant 0 : i32
    %dma_start3A_44 = tpu.memref_slice %arg4[%add3A_42, %dma_start3A_43] : memref<327680x64xf32, #tpu.memory_space<hbm>> -> memref<128x64xf32, #tpu.memory_space<hbm>>
    %dma_start3A_45 = arith.constant 0 : i32
    %dma_start3A_46 = tpu.memref_slice %arg4[%add3A_42, %dma_start3A_45] : memref<327680x64xf32, #tpu.memory_space<hbm>> -> memref<128x64xf32, #tpu.memory_space<hbm>>
    tpu.enqueue_dma source(%arg6 : memref<128x64xf32, #tpu.memory_space<vmem>>) target(%dma_start3A_46 : memref<128x64xf32, #tpu.memory_space<hbm>>) target_semaphore(%arg10 : memref<!tpu.dma_semaphore, #tpu.memory_space<semaphore_mem>>)
    %dma_wait3A_47 = arith.constant 0 : i32
    %dma_wait3A_48 = tpu.memref_slice %arg4[%add3A_42, %dma_wait3A_47] : memref<327680x64xf32, #tpu.memory_space<hbm>> -> memref<128x64xf32, #tpu.memory_space<hbm>>
    %dma_wait3A_49 = arith.constant 0 : i32
    %dma_wait3A_50 = tpu.memref_slice %arg4[%add3A_42, %dma_wait3A_49] : memref<327680x64xf32, #tpu.memory_space<hbm>> -> memref<128x64xf32, #tpu.memory_space<hbm>>
    tpu.wait_dma2 semaphore(%arg10 : memref<!tpu.dma_semaphore, #tpu.memory_space<semaphore_mem>>) src(%arg6 : memref<128x64xf32, #tpu.memory_space<vmem>>) dst(%dma_wait3A_50 : memref<128x64xf32, #tpu.memory_space<hbm>>)
    %dma_wait3A_51 = arith.constant 77 : i32
    %dma_wait3A_52 = arith.constant 0 : i32
    %dma_wait3A_53 = tpu.memref_slice %arg5[%dma_wait3A_51, %dma_wait3A_52] : memref<80x128xi32, #tpu.memory_space<vmem>> -> memref<1x128xi32, #tpu.memory_space<vmem>>
    %dma_wait3A_54 = tpu.memref_squeeze %dma_wait3A_53 : memref<1x128xi32, #tpu.memory_space<vmem>> -> memref<128xi32, #tpu.memory_space<vmem>>
    %dma_wait3A_55 = arith.constant 0 : i32
    %dma_wait3A_56 = arith.constant 0 : i32
    %dma_wait3A_57 = tpu.memref_slice %arg2[%dma_wait3A_55, %dma_wait3A_56] : memref<1007616x64xf32, #tpu.memory_space<hbm>> -> memref<1007616x64xf32, #tpu.memory_space<hbm>>
    tpu.wait_indirect_dma semaphore(%arg11 : memref<!tpu.dma_semaphore, #tpu.memory_space<semaphore_mem>>) src(%dma_wait3A_57 : memref<1007616x64xf32, #tpu.memory_space<hbm>>) dst(%arg7 : memref<128x64xf32, #tpu.memory_space<vmem>>)
    %add3A_58 = arith.constant 9856 : i32
    %add3A_59 = arith.addi %mul3A_2, %add3A_58 : i32
    %dma_start3A_60 = arith.constant 0 : i32
    %dma_start3A_61 = tpu.memref_slice %arg4[%add3A_59, %dma_start3A_60] : memref<327680x64xf32, #tpu.memory_space<hbm>> -> memref<128x64xf32, #tpu.memory_space<hbm>>
    %dma_start3A_62 = arith.constant 0 : i32
    %dma_start3A_63 = tpu.memref_slice %arg4[%add3A_59, %dma_start3A_62] : memref<327680x64xf32, #tpu.memory_space<hbm>> -> memref<128x64xf32, #tpu.memory_space<hbm>>
    tpu.enqueue_dma source(%arg7 : memref<128x64xf32, #tpu.memory_space<vmem>>) target(%dma_start3A_63 : memref<128x64xf32, #tpu.memory_space<hbm>>) target_semaphore(%arg11 : memref<!tpu.dma_semaphore, #tpu.memory_space<semaphore_mem>>)
    %dma_wait3A_64 = arith.constant 0 : i32
    %dma_wait3A_65 = tpu.memref_slice %arg4[%add3A_59, %dma_wait3A_64] : memref<327680x64xf32, #tpu.memory_space<hbm>> -> memref<128x64xf32, #tpu.memory_space<hbm>>
    %dma_wait3A_66 = arith.constant 0 : i32
    %dma_wait3A_67 = tpu.memref_slice %arg4[%add3A_59, %dma_wait3A_66] : memref<327680x64xf32, #tpu.memory_space<hbm>> -> memref<128x64xf32, #tpu.memory_space<hbm>>
    tpu.wait_dma2 semaphore(%arg11 : memref<!tpu.dma_semaphore, #tpu.memory_space<semaphore_mem>>) src(%arg7 : memref<128x64xf32, #tpu.memory_space<vmem>>) dst(%dma_wait3A_67 : memref<128x64xf32, #tpu.memory_space<hbm>>)
    %dma_wait3A_68 = arith.constant 78 : i32
    %dma_wait3A_69 = arith.constant 0 : i32
    %dma_wait3A_70 = tpu.memref_slice %arg5[%dma_wait3A_68, %dma_wait3A_69] : memref<80x128xi32, #tpu.memory_space<vmem>> -> memref<1x128xi32, #tpu.memory_space<vmem>>
    %dma_wait3A_71 = tpu.memref_squeeze %dma_wait3A_70 : memref<1x128xi32, #tpu.memory_space<vmem>> -> memref<128xi32, #tpu.memory_space<vmem>>
    %dma_wait3A_72 = arith.constant 0 : i32
    %dma_wait3A_73 = arith.constant 0 : i32
    %dma_wait3A_74 = tpu.memref_slice %arg2[%dma_wait3A_72, %dma_wait3A_73] : memref<1007616x64xf32, #tpu.memory_space<hbm>> -> memref<1007616x64xf32, #tpu.memory_space<hbm>>
    tpu.wait_indirect_dma semaphore(%arg12 : memref<!tpu.dma_semaphore, #tpu.memory_space<semaphore_mem>>) src(%dma_wait3A_74 : memref<1007616x64xf32, #tpu.memory_space<hbm>>) dst(%arg8 : memref<128x64xf32, #tpu.memory_space<vmem>>)
    %add3A_75 = arith.constant 9984 : i32
    %add3A_76 = arith.addi %mul3A_2, %add3A_75 : i32
    %dma_start3A_77 = arith.constant 0 : i32
    %dma_start3A_78 = tpu.memref_slice %arg4[%add3A_76, %dma_start3A_77] : memref<327680x64xf32, #tpu.memory_space<hbm>> -> memref<128x64xf32, #tpu.memory_space<hbm>>
    %dma_start3A_79 = arith.constant 0 : i32
    %dma_start3A_80 = tpu.memref_slice %arg4[%add3A_76, %dma_start3A_79] : memref<327680x64xf32, #tpu.memory_space<hbm>> -> memref<128x64xf32, #tpu.memory_space<hbm>>
    tpu.enqueue_dma source(%arg8 : memref<128x64xf32, #tpu.memory_space<vmem>>) target(%dma_start3A_80 : memref<128x64xf32, #tpu.memory_space<hbm>>) target_semaphore(%arg12 : memref<!tpu.dma_semaphore, #tpu.memory_space<semaphore_mem>>)
    %dma_wait3A_81 = arith.constant 0 : i32
    %dma_wait3A_82 = tpu.memref_slice %arg4[%add3A_76, %dma_wait3A_81] : memref<327680x64xf32, #tpu.memory_space<hbm>> -> memref<128x64xf32, #tpu.memory_space<hbm>>
    %dma_wait3A_83 = arith.constant 0 : i32
    %dma_wait3A_84 = tpu.memref_slice %arg4[%add3A_76, %dma_wait3A_83] : memref<327680x64xf32, #tpu.memory_space<hbm>> -> memref<128x64xf32, #tpu.memory_space<hbm>>
    tpu.wait_dma2 semaphore(%arg12 : memref<!tpu.dma_semaphore, #tpu.memory_space<semaphore_mem>>) src(%arg8 : memref<128x64xf32, #tpu.memory_space<vmem>>) dst(%dma_wait3A_84 : memref<128x64xf32, #tpu.memory_space<hbm>>)
    %dma_wait3A_85 = arith.constant 79 : i32
    %dma_wait3A_86 = arith.constant 0 : i32
    %dma_wait3A_87 = tpu.memref_slice %arg5[%dma_wait3A_85, %dma_wait3A_86] : memref<80x128xi32, #tpu.memory_space<vmem>> -> memref<1x128xi32, #tpu.memory_space<vmem>>
    %dma_wait3A_88 = tpu.memref_squeeze %dma_wait3A_87 : memref<1x128xi32, #tpu.memory_space<vmem>> -> memref<128xi32, #tpu.memory_space<vmem>>
    %dma_wait3A_89 = arith.constant 0 : i32
    %dma_wait3A_90 = arith.constant 0 : i32
    %dma_wait3A_91 = tpu.memref_slice %arg2[%dma_wait3A_89, %dma_wait3A_90] : memref<1007616x64xf32, #tpu.memory_space<hbm>> -> memref<1007616x64xf32, #tpu.memory_space<hbm>>
    tpu.wait_indirect_dma semaphore(%arg13 : memref<!tpu.dma_semaphore, #tpu.memory_space<semaphore_mem>>) src(%dma_wait3A_91 : memref<1007616x64xf32, #tpu.memory_space<hbm>>) dst(%arg9 : memref<128x64xf32, #tpu.memory_space<vmem>>)
    %add3A_92 = arith.constant 10112 : i32
    %add3A_93 = arith.addi %mul3A_2, %add3A_92 : i32
    %dma_start3A_94 = arith.constant 0 : i32
    %dma_start3A_95 = tpu.memref_slice %arg4[%add3A_93, %dma_start3A_94] : memref<327680x64xf32, #tpu.memory_space<hbm>> -> memref<128x64xf32, #tpu.memory_space<hbm>>
    %dma_start3A_96 = arith.constant 0 : i32
    %dma_start3A_97 = tpu.memref_slice %arg4[%add3A_93, %dma_start3A_96] : memref<327680x64xf32, #tpu.memory_space<hbm>> -> memref<128x64xf32, #tpu.memory_space<hbm>>
    tpu.enqueue_dma source(%arg9 : memref<128x64xf32, #tpu.memory_space<vmem>>) target(%dma_start3A_97 : memref<128x64xf32, #tpu.memory_space<hbm>>) target_semaphore(%arg13 : memref<!tpu.dma_semaphore, #tpu.memory_space<semaphore_mem>>)
    %dma_wait3A_98 = arith.constant 0 : i32
    %dma_wait3A_99 = tpu.memref_slice %arg4[%add3A_93, %dma_wait3A_98] : memref<327680x64xf32, #tpu.memory_space<hbm>> -> memref<128x64xf32, #tpu.memory_space<hbm>>
    %dma_wait3A_100 = arith.constant 0 : i32
    %dma_wait3A_101 = tpu.memref_slice %arg4[%add3A_93, %dma_wait3A_100] : memref<327680x64xf32, #tpu.memory_space<hbm>> -> memref<128x64xf32, #tpu.memory_space<hbm>>
    tpu.wait_dma2 semaphore(%arg13 : memref<!tpu.dma_semaphore, #tpu.memory_space<semaphore_mem>>) src(%arg9 : memref<128x64xf32, #tpu.memory_space<vmem>>) dst(%dma_wait3A_101 : memref<128x64xf32, #tpu.memory_space<hbm>>)
    return
  }
}

module attributes {stable_mosaic.version = 14 : i64} {
  func.func @_transform_body(%arg0: i32, %arg1: memref<100x4096xf32, #tpu.memory_space<vmem>>, %arg2: memref<100x4096xf32, #tpu.memory_space<vmem>>, %arg3: memref<100x64xf32, #tpu.memory_space<vmem>>, %arg4: memref<1x64xf32, #tpu.memory_space<vmem>>, %arg5: memref<4096x128xf32, #tpu.memory_space<vmem>>) attributes {dimension_semantics = [#tpu.dimension_semantics<arbitrary>], iteration_bounds = array<i64: 13>, scalar_prefetch = 0 : i64, scratch_operands = 0 : i64, tpu.core_type = #tpu.core_type<tc>, window_params = [{transform_indices = @transform_0, window_bounds = array<i64: 100, 4096>}, {transform_indices = @transform_1, window_bounds = array<i64: 100, 4096>}, {pipeline_mode = #tpu.pipeline_mode<synchronous>, transform_indices = @transform_2, window_bounds = array<i64: 100, 64>}, {pipeline_mode = #tpu.pipeline_mode<synchronous>, transform_indices = @transform_3, window_bounds = array<i64: 1, 64>}, {transform_indices = @transform_4, window_bounds = array<i64: 4096, 128>}]} {
    %get3A = arith.constant 0 : index
    %get3A_0 = arith.constant 0 : index
    %get3A_1 = vector.load %arg1[%get3A, %get3A_0] : memref<100x4096xf32, #tpu.memory_space<vmem>>, vector<100x4096xf32>
    %get3A_2 = arith.constant 0 : index
    %get3A_3 = arith.constant 0 : index
    %get3A_4 = vector.load %arg3[%get3A_2, %get3A_3] : memref<100x64xf32, #tpu.memory_space<vmem>>, vector<100x64xf32>
    %dot_general3A = arith.constant dense<0.000000e+00> : vector<4096x64xf32>
    %dot_general3A_5 = tpu.matmul %get3A_1, %get3A_4, %dot_general3A {dimension_numbers = #tpu.dot_dimension_numbers<[0], [0], [1], [1], [0, 1, 1, 1], [], []>, transpose_lhs_hint = false} : vector<100x4096xf32>, vector<100x64xf32>, vector<4096x64xf32> -> vector<4096x64xf32>
    %get3A_6 = arith.constant 0 : index
    %get3A_7 = arith.constant 0 : index
    %get3A_8 = vector.load %arg2[%get3A_6, %get3A_7] : memref<100x4096xf32, #tpu.memory_space<vmem>>, vector<100x4096xf32>
    %get3A_9 = arith.constant 0 : index
    %get3A_10 = arith.constant 0 : index
    %get3A_11 = vector.load %arg3[%get3A_9, %get3A_10] : memref<100x64xf32, #tpu.memory_space<vmem>>, vector<100x64xf32>
    %dot_general3A_12 = arith.constant dense<0.000000e+00> : vector<4096x64xf32>
    %dot_general3A_13 = tpu.matmul %get3A_8, %get3A_11, %dot_general3A_12 {dimension_numbers = #tpu.dot_dimension_numbers<[0], [0], [1], [1], [0, 1, 1, 1], [], []>, transpose_lhs_hint = false} : vector<100x4096xf32>, vector<100x64xf32>, vector<4096x64xf32> -> vector<4096x64xf32>
    %get3A_14 = arith.constant 0 : index
    %get3A_15 = arith.constant 0 : index
    %get3A_16 = vector.load %arg4[%get3A_14, %get3A_15] : memref<1x64xf32, #tpu.memory_space<vmem>>, vector<1x64xf32>
    %add3A = vector.broadcast %get3A_16 : vector<1x64xf32> to vector<4096x64xf32>
    %add3A_17 = arith.addf %dot_general3A_5, %add3A : vector<4096x64xf32>
    %add3A_18 = vector.broadcast %get3A_16 : vector<1x64xf32> to vector<4096x64xf32>
    %add3A_19 = arith.addf %dot_general3A_13, %add3A_18 : vector<4096x64xf32>
    %concatenate3A = tpu.concatenate %add3A_17, %add3A_19 in 1 : vector<4096x64xf32>, vector<4096x64xf32> -> vector<4096x128xf32>
    %tanh3A = math.tanh %concatenate3A : vector<4096x128xf32>
    %swap3A = arith.constant 0 : index
    %swap3A_20 = arith.constant 0 : index
    %swap3A_21 = vector.load %arg5[%swap3A, %swap3A_20] : memref<4096x128xf32, #tpu.memory_space<vmem>>, vector<4096x128xf32>
    tpu.vector_store %arg5[%swap3A, %swap3A_20], %tanh3A {strides = array<i32>} : memref<4096x128xf32, #tpu.memory_space<vmem>>, vector<4096x128xf32>,
    return
  }
  func.func @transform_0(%arg0: i32) -> (i32, i32) {
    %c0_i32 = arith.constant 0 : i32
    %c0_i32_0 = arith.constant 0 : i32
    return %c0_i32, %arg0 : i32, i32
  }
  func.func @transform_1(%arg0: i32) -> (i32, i32) {
    %add3A = arith.constant 12 : i32
    %add3A_0 = arith.addi %add3A, %arg0 : i32
    %c0_i32 = arith.constant 0 : i32
    %c0_i32_1 = arith.constant 0 : i32
    return %c0_i32, %add3A_0 : i32, i32
  }
  func.func @transform_2(%arg0: i32) -> (i32, i32) {
    %c0_i32 = arith.constant 0 : i32
    %c0_i32_0 = arith.constant 0 : i32
    %c0_i32_1 = arith.constant 0 : i32
    return %c0_i32, %c0_i32_0 : i32, i32
  }
  func.func @transform_3(%arg0: i32) -> (i32, i32) {
    %c0_i32 = arith.constant 0 : i32
    %c0_i32_0 = arith.constant 0 : i32
    %c0_i32_1 = arith.constant 0 : i32
    return %c0_i32, %c0_i32_0 : i32, i32
  }
  func.func @transform_4(%arg0: i32) -> (i32, i32) {
    %c0_i32 = arith.constant 0 : i32
    %c0_i32_0 = arith.constant 0 : i32
    return %arg0, %c0_i32 : i32, i32
  }
}

module attributes {stable_mosaic.version = 14 : i64} {
  func.func @_wt_body(%arg0: i32, %arg1: memref<64x4096xf32, #tpu.memory_space<vmem>>, %arg2: memref<64x4096xf32, #tpu.memory_space<vmem>>, %arg3: memref<4096x128xf32, #tpu.memory_space<vmem>>) attributes {dimension_semantics = [#tpu.dimension_semantics<arbitrary>], iteration_bounds = array<i64: 123>, scalar_prefetch = 0 : i64, scratch_operands = 0 : i64, tpu.core_type = #tpu.core_type<tc>, window_params = [{transform_indices = @transform_0, window_bounds = array<i64: 64, 4096>}, {transform_indices = @transform_1, window_bounds = array<i64: 64, 4096>}, {transform_indices = @transform_2, window_bounds = array<i64: 4096, 128>}]} {
    %iota3A = tpu.iota {dimensions = array<i32: 0>} : vector<64x64xi32>
    %iota3A_0 = tpu.iota {dimensions = array<i32: 1>} : vector<64x64xi32>
    %eq3A = arith.cmpi eq, %iota3A, %iota3A_0 : vector<64x64xi32>
    %jit3A = arith.constant 1.000000e+00 : f32
    %jit3A_1 = arith.constant 0.000000e+00 : f32
    %broadcast_in_dim3A = vector.broadcast %jit3A : f32 to vector<64x64xf32>
    %broadcast_in_dim3A_2 = vector.broadcast %jit3A_1 : f32 to vector<64x64xf32>
    %select_n3A = arith.select %eq3A, %broadcast_in_dim3A, %broadcast_in_dim3A_2 : vector<64x64xi1>, vector<64x64xf32>
    %get3A = arith.constant 0 : index
    %get3A_3 = arith.constant 0 : index
    %get3A_4 = vector.load %arg1[%get3A, %get3A_3] : memref<64x4096xf32, #tpu.memory_space<vmem>>, vector<64x4096xf32>
    %dot_general3A = arith.constant dense<0.000000e+00> : vector<4096x64xf32>
    %dot_general3A_5 = tpu.matmul %get3A_4, %select_n3A, %dot_general3A {dimension_numbers = #tpu.dot_dimension_numbers<[0], [0], [1], [1], [0, 1, 1, 1], [], []>, transpose_lhs_hint = false} : vector<64x4096xf32>, vector<64x64xf32>, vector<4096x64xf32> -> vector<4096x64xf32>
    %get3A_6 = arith.constant 0 : index
    %get3A_7 = arith.constant 0 : index
    %get3A_8 = vector.load %arg2[%get3A_6, %get3A_7] : memref<64x4096xf32, #tpu.memory_space<vmem>>, vector<64x4096xf32>
    %dot_general3A_9 = arith.constant dense<0.000000e+00> : vector<4096x64xf32>
    %dot_general3A_10 = tpu.matmul %get3A_8, %select_n3A, %dot_general3A_9 {dimension_numbers = #tpu.dot_dimension_numbers<[0], [0], [1], [1], [0, 1, 1, 1], [], []>, transpose_lhs_hint = false} : vector<64x4096xf32>, vector<64x64xf32>, vector<4096x64xf32> -> vector<4096x64xf32>
    %concatenate3A = tpu.concatenate %dot_general3A_5, %dot_general3A_10 in 1 : vector<4096x64xf32>, vector<4096x64xf32> -> vector<4096x128xf32>
    %swap3A = arith.constant 0 : index
    %swap3A_11 = arith.constant 0 : index
    %swap3A_12 = vector.load %arg3[%swap3A, %swap3A_11] : memref<4096x128xf32, #tpu.memory_space<vmem>>, vector<4096x128xf32>
    tpu.vector_store %arg3[%swap3A, %swap3A_11], %concatenate3A {strides = array<i32>} : memref<4096x128xf32, #tpu.memory_space<vmem>>, vector<4096x128xf32>,
    return
  }
  func.func @transform_0(%arg0: i32) -> (i32, i32) {
    %c0_i32 = arith.constant 0 : i32
    %c0_i32_0 = arith.constant 0 : i32
    return %c0_i32, %arg0 : i32, i32
  }
  func.func @transform_1(%arg0: i32) -> (i32, i32) {
    %add3A = arith.constant 122 : i32
    %add3A_0 = arith.addi %add3A, %arg0 : i32
    %c0_i32 = arith.constant 0 : i32
    %c0_i32_1 = arith.constant 0 : i32
    return %c0_i32, %add3A_0 : i32, i32
  }
  func.func @transform_2(%arg0: i32) -> (i32, i32) {
    %c0_i32 = arith.constant 0 : i32
    %c0_i32_0 = arith.constant 0 : i32
    return %arg0, %c0_i32 : i32, i32
  }
}

module attributes {stable_mosaic.version = 14 : i64} {
  func.func @_fin_body(%arg0: i32, %arg1: memref<8192x128xf32, #tpu.memory_space<vmem>>, %arg2: memref<1x1x64x16384xf32, #tpu.memory_space<vmem>>) attributes {dimension_semantics = [#tpu.dimension_semantics<arbitrary>], iteration_bounds = array<i64: 20>, scalar_prefetch = 0 : i64, scratch_operands = 0 : i64, tpu.core_type = #tpu.core_type<tc>, window_params = [{transform_indices = @transform_0, window_bounds = array<i64: 8192, 128>}, {transform_indices = @transform_1, window_bounds = array<i64: 1, 1, 64, 16384>}]} {
    %get3A = arith.constant 0 : index
    %get3A_0 = arith.constant 0 : index
    %get3A_1 = vector.load %arg1[%get3A, %get3A_0] : memref<8192x128xf32, #tpu.memory_space<vmem>>, vector<8192x128xf32>
    %transpose3A = tpu.transpose %get3A_1, [1, 0] : vector<8192x128xf32> -> vector<128x8192xf32>
    %slice3A = vector.extract_strided_slice %transpose3A {offsets = [0, 0], sizes = [64, 8192], strides = [1, 1]} : vector<128x8192xf32> to vector<64x8192xf32>
    %slice3A_2 = vector.extract_strided_slice %transpose3A {offsets = [64, 0], sizes = [64, 8192], strides = [1, 1]} : vector<128x8192xf32> to vector<64x8192xf32>
    %concatenate3A = tpu.concatenate %slice3A, %slice3A_2 in 1 : vector<64x8192xf32>, vector<64x8192xf32> -> vector<64x16384xf32>
    %reshape3A = vector.shape_cast %concatenate3A : vector<64x16384xf32> to vector<1x1x64x16384xf32>
    %swap3A = arith.constant 0 : index
    %swap3A_3 = arith.constant 0 : index
    %swap3A_4 = arith.constant 0 : index
    %swap3A_5 = arith.constant 0 : index
    %swap3A_6 = vector.load %arg2[%swap3A, %swap3A_3, %swap3A_4, %swap3A_5] : memref<1x1x64x16384xf32, #tpu.memory_space<vmem>>, vector<1x1x64x16384xf32>
    tpu.vector_store %arg2[%swap3A, %swap3A_3, %swap3A_4, %swap3A_5], %reshape3A {strides = array<i32>} : memref<1x1x64x16384xf32, #tpu.memory_space<vmem>>, vector<1x1x64x16384xf32>,
    return
  }
  func.func @transform_0(%arg0: i32) -> (i32, i32) {
    %c0_i32 = arith.constant 0 : i32
    %c0_i32_0 = arith.constant 0 : i32
    return %arg0, %c0_i32 : i32, i32
  }
  func.func @transform_1(%arg0: i32) -> (i32, i32, i32, i32) {
    %c1_i32 = arith.constant 1 : i32
    %c0_i32 = arith.constant 0 : i32
    %c0_i32_0 = arith.constant 0 : i32
    %c0_i32_1 = arith.constant 0 : i32
    return %c1_i32, %arg0, %c0_i32, %c0_i32_0 : i32, i32, i32, i32
  }
}

module attributes {stable_mosaic.version = 14 : i64} {
  func.func @_fin_body2(%arg0: i32, %arg1: memref<8192x128xf32, #tpu.memory_space<vmem>>, %arg2: memref<2x20x64x16384xf32, #tpu.memory_space<any>>, %arg3: memref<1x1x64x16384xf32, #tpu.memory_space<vmem>>) attributes {dimension_semantics = [#tpu.dimension_semantics<arbitrary>], iteration_bounds = array<i64: 20>, scalar_prefetch = 0 : i64, scratch_operands = 0 : i64, tpu.core_type = #tpu.core_type<tc>, window_params = [{transform_indices = @transform_0, window_bounds = array<i64: 8192, 128>}, {}, {transform_indices = @transform_2, window_bounds = array<i64: 1, 1, 64, 16384>}]} {
    %get3A = arith.constant 0 : index
    %get3A_0 = arith.constant 0 : index
    %get3A_1 = vector.load %arg1[%get3A, %get3A_0] : memref<8192x128xf32, #tpu.memory_space<vmem>>, vector<8192x128xf32>
    %transpose3A = tpu.transpose %get3A_1, [1, 0] : vector<8192x128xf32> -> vector<128x8192xf32>
    %slice3A = vector.extract_strided_slice %transpose3A {offsets = [0, 0], sizes = [64, 8192], strides = [1, 1]} : vector<128x8192xf32> to vector<64x8192xf32>
    %slice3A_2 = vector.extract_strided_slice %transpose3A {offsets = [64, 0], sizes = [64, 8192], strides = [1, 1]} : vector<128x8192xf32> to vector<64x8192xf32>
    %concatenate3A = tpu.concatenate %slice3A, %slice3A_2 in 1 : vector<64x8192xf32>, vector<64x8192xf32> -> vector<64x16384xf32>
    %reshape3A = vector.shape_cast %concatenate3A : vector<64x16384xf32> to vector<1x1x64x16384xf32>
    %swap3A = arith.constant 0 : index
    %swap3A_3 = arith.constant 0 : index
    %swap3A_4 = arith.constant 0 : index
    %swap3A_5 = arith.constant 0 : index
    %swap3A_6 = vector.load %arg3[%swap3A, %swap3A_3, %swap3A_4, %swap3A_5] : memref<1x1x64x16384xf32, #tpu.memory_space<vmem>>, vector<1x1x64x16384xf32>
    tpu.vector_store %arg3[%swap3A, %swap3A_3, %swap3A_4, %swap3A_5], %reshape3A {strides = array<i32>} : memref<1x1x64x16384xf32, #tpu.memory_space<vmem>>, vector<1x1x64x16384xf32>,
    return
  }
  func.func @transform_0(%arg0: i32) -> (i32, i32) {
    %c0_i32 = arith.constant 0 : i32
    %c0_i32_0 = arith.constant 0 : i32
    return %arg0, %c0_i32 : i32, i32
  }
  func.func @transform_2(%arg0: i32) -> (i32, i32, i32, i32) {
    %c0_i32 = arith.constant 0 : i32
    %c0_i32_0 = arith.constant 0 : i32
    %c0_i32_1 = arith.constant 0 : i32
    %c0_i32_2 = arith.constant 0 : i32
    return %c0_i32, %arg0, %c0_i32_0, %c0_i32_1 : i32, i32, i32, i32
  }
}

</mosaic_0001>

<sc_bundles>
// kernel: gather_offload_async_start.1
scs
__scs_entry_jumppad:
0x0: {  	(pc) =	sbr.rel $0x88, $3  }
0x1: {  	(tag) =	ssettag $0x0;
	lr =	simm.s32 $0x1  }
0x2: {  	[smem:$0x3F9B] =	sst lr;
	_ =	strace $0xD0000000  }
0x3: {  	_ = 	snop  }
0x4: {  	_ = 	snop  }
0x5: {  	_ = 	snop  }
0x6: {  	_ = 	snop  }
0x7: {  	_ = 	snop  }
__scs_overlays_trampoline_lowered:
0x8: {  	[smem:$0x3FAA] =	sst s0  }
0x9: {  	[smem:$0x3FAB] =	sst s1  }
0xa: {  	[smem:$0x3FAC] =	sst s2  }
0xb: {  	[smem:$0x3FAD] =	sst s3  }
0xc: {  	[smem:$0x3FAE] =	sst s4  }
0xd: {  	[smem:$0x3FAF] =	sst s5  }
0xe: {  	[smem:$0x3FB0] =	sst s6  }
0xf: {  	[smem:$0x3FB1] =	sst s7  }
0x10: {  	[smem:$0x3FB2] =	sst s8  }
0x11: {  	[smem:$0x3FB3] =	sst s9;
	s0 =	simm.s32 @!p0 $0x0  }
0x12: {  	s1 =	sld [smem:$0x3F99];
	s0 =	simm.s32 @p0 $0x1  }
0x13: {  	[smem:$0x3FB4] =	sst s0;
	s0 =	simm.s32 @!p1 $0x0  }
0x14: {  	s2 =	sld [smem:$0x3F98];
	s0 =	simm.s32 @p1 $0x1  }
0x15: {  	[smem:$0x3FB5] =	sst s0;
	s0 =	simm.s32 @!p2 $0x0  }
0x16: {  	s3 =	sld [smem:$0x3FDB];
	s0 =	simm.s32 @p2 $0x1  }
0x17: {  	s4 =	simm.s32 $0x1BF5;
	[smem:$0x3FB7] =	sst s0  }
0x18: {  	s0 =	sld [smem:$0x3F9A];
	_ =	swait.ge [sflag:s4], $0x0  }
0x19: {  	s7 =	sld [smem:$0x3F9B]  }
0x1a: {  	s8 =	sadd.s32 $0xFFFFE003, lr  }
0x1b: {  	s9 =	sadd.s32 $0xFFFFFEF7, lr;
	s5 =	simm.s32 $0xFFFFFFFF;
	p2 =	slt.u32 s8, $0xFFFFF086  }
0x1c: {  	p1 =	slt.u32 s9, $0xF7A;
	s5 =	simm.s32 @!p2 $0x0  }
0x1d: {  	s5 =	simm.s32 @p1 $0x1;
	p0 =	seq.s32 s7, s2  }
0x1e: {  	s7 =	smul.u32 @!p0 $0xF7A, s2;
	p2 =	seq.s32 @!p0 s5, $0x0  }
0x1f: {  	s9 =	smul.u32 $0xF7A, s1;
	s8 =	simm.s32 @!p0 $0x1BF5;
	p2 =	por !p2, p0  }
0x20: {  	[sflag:s8] =	ssyncset.s32 @!p0 $0xFFFFF086;
	s6 =	sadd.s32 @!p0 s3, s7;
	s7 =	simm.s32 @!p0 $0x108  }
0x21: {  	s3 =	sadd.s32 s3, s9;
	s6 =	sadd.s32 @!p0 $0x88, s6;
	s7 =	simm.s32 @p2 $0x1082  }
0x22: {  	[simem:s7], [sflag:s8] =	dma.local @!p0 [hbm:s6], $0xF7A  }
0x23: {  	s9 =	sor.u32 $0xD0000000, s2;
	s6 =	simm.s32 $0x108;
	_ =	swait.ge @!p0 [sflag:s8], $0x0  }
0x24: {  	s3 =	sadd.s32 $0x88, s3;
	s6 =	simm.s32 @!p1 $0x1082;
	[sflag:s4] =	ssyncset.s32 $0xFFFFF086  }
0x25: {  	[simem:s6], [sflag:s4] =	dma.local [hbm:s3], $0xF7A  }
0x26: {  	[smem:$0x3F9B] =	sst s1;
	(tag) =	ssettag s2;
	_ =	strace s9  }
0x27: {  	s1 =	sld [smem:$0x3FAB]  }
0x28: {  	s2 =	sld [smem:$0x3FAC]  }
0x29: {  	s4 =	sld [smem:$0x3FAE]  }
0x2a: {  	p0 =	seq.s32 s5, $0x0;
	s5 =	sld [smem:$0x3FAF]  }
0x2b: {  	s6 =	sld [smem:$0x3FB0]  }
0x2c: {  	s7 =	sld [smem:$0x3FB1]  }
0x2d: {  	s3 =	simm.s32 $0x108;
	s8 =	sld [smem:$0x3FB2]  }
0x2e: {  	s3 =	simm.s32 @!p0 $0x1082;
	s9 =	sld [smem:$0x3FB3]  }
0x2f: {  	lr =	sadd.s32 s0, s3;
	s0 =	sld [smem:$0x3FAA]  }
0x30: {  	s3 =	sld [smem:$0x3FAD]  }
0x31: {  	[smem:$0x3FB6] =	sst s10  }
0x32: {  	s10 =	sld [smem:$0x3FB4];
	_ =	sdelay $0x3  }
0x33: {  	p0 =	seq.s32 s10, $0x1;
	s10 =	sld [smem:$0x3FB6];
	_ =	sdelay $0x3  }
0x34: {  	[smem:$0x3FB6] =	sst s10  }
0x35: {  	s10 =	sld [smem:$0x3FB5];
	_ =	sdelay $0x3  }
0x36: {  	p1 =	seq.s32 s10, $0x1;
	s10 =	sld [smem:$0x3FB6];
	_ =	sdelay $0x3  }
0x37: {  	[smem:$0x3FB6] =	sst s10  }
0x38: {  	s10 =	sld [smem:$0x3FB7]  }
0x39: {  	_ = 	snop;
	(pc) =	sbr.ind lr, $3  }
0x3a: {  	_ = 	snop  }
0x3b: {  	_ = 	snop  }
0x3c: {  	p2 =	seq.s32 s10, $0x1;
	s10 =	sld [smem:$0x3FB6]  }
0x3d: {  	_ =	shalt  }
0x3e: {  	_ =	shalt  }
0x3f: {  	_ =	shalt  }
0x40: {  	_ =	shalt  }
0x41: {  	_ =	shalt  }
0x42: {  	_ =	shalt  }
0x43: {  	_ =	shalt  }
0x44: {  	_ =	shalt  }
0x45: {  	_ =	shalt  }
0x46: {  	_ =	shalt  }
0x47: {  	_ =	shalt  }
0x48: {  	_ =	shalt  }
0x49: {  	_ =	shalt  }
0x4a: {  	_ =	shalt  }
0x4b: {  	_ =	shalt  }
0x4c: {  	_ =	shalt  }
0x4d: {  	_ =	shalt  }
0x4e: {  	_ =	shalt  }
0x4f: {  	_ =	shalt  }
0x50: {  	_ =	shalt  }
0x51: {  	_ =	shalt  }
0x52: {  	_ =	shalt  }
0x53: {  	_ =	shalt  }
0x54: {  	_ =	shalt  }
0x55: {  	_ =	shalt  }
0x56: {  	_ =	shalt  }
0x57: {  	_ =	shalt  }
0x58: {  	_ =	shalt  }
0x59: {  	_ =	shalt  }
0x5a: {  	_ =	shalt  }
0x5b: {  	_ =	shalt  }
0x5c: {  	_ =	shalt  }
0x5d: {  	_ =	shalt  }
0x5e: {  	_ =	shalt  }
0x5f: {  	_ =	shalt  }
0x60: {  	_ =	shalt  }
0x61: {  	_ =	shalt  }
0x62: {  	_ =	shalt  }
0x63: {  	_ =	shalt  }
0x64: {  	_ =	shalt  }
0x65: {  	_ =	shalt  }
0x66: {  	_ =	shalt  }
0x67: {  	_ =	shalt  }
0x68: {  	_ =	shalt  }
0x69: {  	_ =	shalt  }
0x6a: {  	_ =	shalt  }
0x6b: {  	_ =	shalt  }
0x6c: {  	_ =	shalt  }
0x6d: {  	_ =	shalt  }
0x6e: {  	_ =	shalt  }
0x6f: {  	_ =	shalt  }
0x70: {  	_ =	shalt  }
0x71: {  	_ =	shalt  }
0x72: {  	_ =	shalt  }
0x73: {  	_ =	shalt  }
0x74: {  	_ =	shalt  }
0x75: {  	_ =	shalt  }
0x76: {  	_ =	shalt  }
0x77: {  	_ =	shalt  }
0x78: {  	_ =	shalt  }
0x79: {  	_ =	shalt  }
0x7a: {  	_ =	shalt  }
0x7b: {  	_ =	shalt  }
0x7c: {  	_ =	shalt  }
0x7d: {  	_ =	shalt  }
0x7e: {  	_ =	shalt  }
0x7f: {  	_ =	shalt  }
0x80: {  	_ =	shalt  }
0x81: {  	_ =	shalt  }
0x82: {  	_ =	shalt  }
0x83: {  	_ =	shalt  }
0x84: {  	_ =	shalt  }
0x85: {  	_ =	shalt  }
0x86: {  	_ =	shalt  }
0x87: {  	_ =	shalt  }
.Lfunc_end0:
.L_simem_size_0:
called_computation.1_lowered:
.L_overlay_start_0:
0x88: {  	s2 =	sld [smem:$0x3FD9]  }
0x89: {  	s3 =	sld [smem:$0x3FFE];
	_ =	sdelay $0x1  }
0x8a: {  	s1 =	srdreg.scid  }
0x8b: {  	s0 =	sand.u32 $0x1, s1  }
0x8c: {  	s16 =	sshll.u32 s0, $0xA;
	s2 =	sadd.s32 s3, s2  }
0x8d: {  	s2 =	sadd.s32 s2, s16  }
0x8e: {  	[smem:$0x3FC2] =	sst s2  }
0x8f: {  	_ = 	snop  }
0x90: {  	(tm) =	ssettm $0x1  }
0x91: {  	s17 =	sld [smem:$0x3FFB];
	_ =	sdelay $0x3  }
0x92: {  	_ =	strace s17  }
0x93: {  	s2 =	sld [smem:$0x3FFC];
	_ =	sdelay $0x3  }
0x94: {  	_ =	strace s2  }
0x95: {  	s2 =	sld [smem:$0x3FFD];
	_ =	sdelay $0x3  }
0x96: {  	_ =	strace s2  }
0x97: {  	_ =	strace $0x8FFFFFFF  }
0x98: {  	s18 =	sld [smem:$0x3FDB];
	_ =	sdelay $0x1  }
0x99: {  	s19 =	simm.s32 $_scs_section_size  }
0x9a: {  	s4 =	simm.s32 $_size__tile_overlayer_lowered;
	s5 =	simm.s32 $_tile_overlayer_lowered  }
0x9b: {  	s22 =	simm.s32 $0x1BFF;
	s21 =	sshll.u32 s5, $0x1;
	s2 =	sadd.s32 s19, s18  }
0x9c: {  	s6 =	simm.s32 $0x0;
	s20 =	sshll.u32 s4, $0x1;
	s4 =	sadd.s32 s21, s2  }
0x9d: {  	[timem:s6], [sflag:s22] =	dma.local [hbm:s4], s20  }
0x9e: {  	_ =	swait.ge [sflag:s22], s20  }
0x9f: {  	s3 =	ssub.s32 $0x0, s20;
	[sflag:s22] =	ssyncset.done $0x0  }
0xa0: {  	[sflag:s22] =	ssyncadd.s32 s3;
	_ =	sdelay $0x1  }
0xa1: {  	s23 =	simm.s32 $0x1B8B  }
0xa2: {  	_ =	swait.ge [sflag:s23], $0x1  }
0xa3: {  	[sflag:s23] =	ssyncset.done $0x0  }
0xa4: {  	s25 =	simm.s32 $0x1B8E;
	s24 =	sld [smem:$0x3FFE];
	[sflag:s23] =	ssyncadd.s32 $0xFFFFFFFF  }
0xa5: {  	s26 =	simm.s32 $execute0_lowered;
	[smem:$0x3FD2] =	sst s25  }
0xa6: {  	s4 =	sshll.u32 s26, $0x1;
	_ =	strace $0x80000046;
	[dreg:$0x1] =	wrdreg $0xFFFFFFFF  }
0xa7: {  	s28 =	simm.s32 $_size_execute0_lowered;
	s2 =	sadd.s32 s2, s4;
	[dreg:$0x0] =	wrdreg $0x0  }
0xa8: {  	s4 =	sshll.u32 s28, $0x1;
	[dreg:$0x2] =	wrdreg s2  }
0xa9: {  	[dreg:$0x3] =	wrdreg s4  }
0xaa: {  	[dreg:$0x4] =	wrdreg $0xC0  }
0xab: {  	_ =	task [dreg:s6], $0x5FFFF  }
0xac: {  	[dreg:$0x1] =	wrdreg $0xFFFFFFFF  }
0xad: {  	[dreg:$0x0] =	wrdreg $0x60  }
0xae: {  	[dreg:$0x2] =	wrdreg s24  }
0xaf: {  	[dreg:$0x3] =	wrdreg $0xA  }
0xb0: {  	_ =	task.clear_ibuf [dreg:s6], $0x4FFFF;
	_ =	strace $0x90000046  }
0xb1: {  	s29 =	simm.s32 $0xA;
	_ =	strace $0x80000048  }
0xb2: {  	_ =	swait.ge [sflag:s29], $0x1  }
0xb3: {  	[sflag:s29] =	ssyncadd.s32 $0xFFFFFFFF  }
0xb4: {  	_ =	strace $0x90000048  }
0xb5: {  	_ =	sfence  }
0xb6: {  	s30 =	sld [smem:$0x0];
	_ =	sdelay $0x2  }
0xb7: {  	s31 =	sshll.u32 s1, $0xD;
	s1 =	sshrl.u32 s1, $0x2  }
0xb8: {  	s3 =	sand.u32 $0x4000, s31;
	s1 =	sadd.s32 s1, s30  }
0xb9: {  	s0 =	sor.u32 s3, s0;
	s1 =	sshll.u32 s1, $0x11  }
0xba: {  	s0 =	sor.u32 s1, s0  }
0xbb: {  	s0 =	sadd.s32 $0x8F2B, s0  }
0xbc: {  	[sflag:s0] =	ssyncadd.remote.s32 $0x1  }
0xbd: {  	_ =	sfence.sel $0xFFFF  }
0xbe: {  	[dreg:$0x0] =	wrdreg $0xFFFFFFFF;
	(pc) =	sbr.abs _section_cstart, $3  }
0xbf: {  	[dreg:$0x1] =	wrdreg $0xFFFFFFFF  }
0xc0: {  	_ =	task.clear_ibuf [dreg:s6], $0x2FFFF;
	_ =	strace $0x9FFFFFFF  }
0xc1: {  	(tm) =	ssettm $0x7FFFFFFF  }
tec
execute0_lowered:
.L_overlay_start_1:
0x0: {  	(tag) =	ssettag $0x1  }
0x1: {  	s7 =	rddreg [dreg:$0x0]  }
0x2: {  	s0 =	rddreg [dreg:$0x1];
	_ =	strace $0x80000047  }
0x3: {  	s1 =	srdreg.scid;
	s4 =	simm.s32 $0x1;
	s9 =	simm.s32 $0x3  }
0x4: {  	s11 =	simm.s32 $0x0;
	p0 =	por $0x0, $0x0;
	s5 =	sshll.u32 s1, $0x4  }
.Ltmp0:
0x5: {  	s1 =	stileid.u32;
	s5 =	sand.u32 $0x10, s5;
	(pc) =	sbr.rel .LBB2_1-.Ltmp0, $4  }
0x6: {  	s2 =	sadd.s32 $0x2000, s7;
	s3 =	sadd.s32 $0x1800, s7;
	s6 =	sor.u32 s1, s5  }
0x7: {  	[sflag:s4] =	ssyncpa.u1 $0x0;
	s5 =	simm.s32 $0x2;
	s6 =	sshll.u32 s6, $0x9  }
0x8: {  	s7 =	sadd.s32 $0x42000, s7;
	[sflag:s5] =	ssyncpa.u1 $0x0;
	s8 =	sadd.s32 $0x200, s6  }
0x9: {  	vm0 =	vmmov $0xff;
	vm1 =	vcmask $0x3F20;
	[sflag:s9] =	ssyncpa.u1 $0x0;
	s10 =	smov.u32 s6;
	s9 =	simm.s32 $0x0  }
.LBB2_7:
0xa: {  	p1 =	slt.u32 s9, $0x2;
	s11 =	sadd.s32 $0x100, s10  }
0xb: {  	s13 =	smov.u32 s6;
	s9 =	sadd.s32 $0x1, s9;
	p2 =	slt.s32 s11, s8  }
0xc: {  	s13 =	smov.u32 @p2 s11;
	p2 =	sne.s32 s9, $0x4  }
.Ltmp1:
0xd: {  	_ = 	snop;
	(pc) =	sbr.rel @!p2 .LBB2_8-.Ltmp1, $4  }
0xe: {  	s12 =	simm.s32 @!p1 $0x3  }
0xf: {  	_ =	swait.ge @!p1 [sflag:s12], $0x8000  }
0x10: {  	p0 =	por !p0, !p0;
	[sflag:s12] =	ssyncset.done @!p1 $0x0  }
0x11: {  	s11 =	smov.u32 s10;
	s10 =	smov.u32 s13;
	[sflag:s12] =	ssyncadd.s32 @!p1 $0xFFFF8000  }
.LBB2_1:
0x12: {  	p1 =	sgt.u32 s9, $0x1  }
0x13: {  	s12 =	sshll.u32 @!p1 s9, $0x8;
	s13 =	sshrl.u32 @!p1 s10, $0x3  }
0x14: {  	s14 =	sand.u32 @!p1 $0x7, s10;
	s12 =	sxor.u32 @!p1 $0x100, s12;
	s13 =	sadd.s32 @!p1 s3, s13  }
0x15: {  	[tilespmem:s12], [sflag:$0x2] =	stream.linear.gather @!p1 [hbm4b:s13+s14], $0x100, $0x38;
	[tilespmem:$0x10200] =	vst v63  }
0x16: {  	p1 =	seq.s32 s9, $0x0  }
0x17: {  	p2 =	seq.s32 @!p1 s9, $0x3  }
0x18: {  	p1 =	por p1, p2  }
.Ltmp2:
0x19: {  	_ = 	snop;
	(pc) =	sbr.rel @p1 .LBB2_7-.Ltmp2, $1  }
0x1a: {  	_ =	sdelay $0x3  }
0x1b: {  	s12 =	simm.s32 $0x1  }
0x1c: {  	_ =	swait.ge [sflag:s5], $0x100;
	s12 =	simm.s32 @!p0 $0x0  }
0x1d: {  	[sflag:s5] =	ssyncset.done $0x0;
	s14 =	sshll.u32 s12, $0x8  }
0x1e: {  	[sflag:s5] =	ssyncadd.s32 $0xFFFFFF00;
	s13 =	sadd.s32 $0x0, s14  }
0x1f: {  	v0 =	vld.msk [tilespmem:s13+$0x0 ss:$0x1], $0xffff;
	_ =	sdelay $0x4  }
0x20: {  	vm2 =	vgt.s32 v0, $0x0  }
0x21: {  	v0 =	vnsel vm2, $0x0, v0  }
0x22: {  	v0 =	vmin.u32 v0, $0x3FFF  }
0x23: {  	v0 =	vshll.u32 v0, $0x4;
	_ =	sdelay $0x2  }
0x24: {  	s12 =	sshll.u32 s12, $0xF  }
0x25: {  	s12 =	sor.u32 $0x200, s12  }
0x26: {  	[tilespmem:s12], [sflag:$0x1] =	stream.indirect_vreg.gather [hbm:s2], $0x80, v0, vm0, $0x38;
	[tilespmem:$0x10200] =	vst v63  }
0x27: {  	s15 =	sadd.s32 $0x10, s14;
	s13 =	sadd.s32 $0x400, s12  }
0x28: {  	[tilespmem:s13], [sflag:$0x1] =	stream.indirect_vreg.gather [hbm:s2], $0x80, v0, vm1, $0x38;
	[tilespmem:$0x10200] =	vst v63  }
0x29: {  	s16 =	simm.s32 $0x80;
	v0 =	vld.msk [tilespmem:s15+$0x0 ss:$0x1], $0xffff;
	s15 =	smov.u32 s12  }
.LBB2_3:
0x2a: {  	p1 =	sne.s32 s16, $0x3C0;
	_ =	sdelay $0x4  }
0x2b: {  	vm2 =	vgt.s32 v0, $0x0  }
0x2c: {  	v0 =	vnsel vm2, $0x0, v0  }
0x2d: {  	v0 =	vmin.u32 v0, $0x3FFF  }
0x2e: {  	v0 =	vshll.u32 v0, $0x4;
	_ =	sdelay $0x3  }
.Ltmp3:
0x2f: {  	s17 =	sshra.s32 s16, $0x2;
	s15 =	sadd.s32 $0x800, s15;
	(pc) =	sbr.rel @p1 .LBB2_3-.Ltmp3, $4  }
0x30: {  	[tilespmem:s15], [sflag:$0x1] =	stream.indirect_vreg.gather [hbm:s2], $0x80, v0, vm0, $0x38;
	[tilespmem:$0x10200] =	vst v63  }
0x31: {  	s17 =	sadd.s32 s17, s14;
	s18 =	sadd.s32 $0x400, s15  }
0x32: {  	[tilespmem:s18], [sflag:$0x1] =	stream.indirect_vreg.gather [hbm:s2], $0x80, v0, vm1, $0x38;
	[tilespmem:$0x10200] =	vst v63  }
0x33: {  	s16 =	sadd.s32 $0x40, s16;
	v0 =	vld.msk [tilespmem:s17+$0x0 ss:$0x1], $0xffff  }
0x34: {  	_ =	sdelay $0x3  }
0x35: {  	vm2 =	vgt.s32 v0, $0x0  }
0x36: {  	v0 =	vnsel vm2, $0x0, v0  }
0x37: {  	v0 =	vmin.u32 v0, $0x3FFF  }
0x38: {  	v0 =	vshll.u32 v0, $0x4;
	_ =	sdelay $0x3  }
0x39: {  	s14 =	sadd.s32 $0x800, s15  }
0x3a: {  	[tilespmem:s14], [sflag:$0x1] =	stream.indirect_vreg.gather [hbm:s2], $0x80, v0, vm0, $0x38;
	[tilespmem:$0x10200] =	vst v63  }
0x3b: {  	s14 =	sadd.s32 $0x400, s14  }
0x3c: {  	[tilespmem:s14], [sflag:$0x1] =	stream.indirect_vreg.gather [hbm:s2], $0x80, v0, vm1, $0x38;
	[tilespmem:$0x10200] =	vst v63  }
0x3d: {  	s11 =	sshll.u32 s11, $0x4;
	_ =	swait.ge [sflag:s4], $0x8000  }
0x3e: {  	s11 =	sadd.s32 s11, s7;
	[sflag:s4] =	ssyncset.done $0x0  }
0x3f: {  	s15 =	sadd.s32 $0x0, s11;
	s14 =	simm.s32 $0x80;
	[sflag:s4] =	ssyncadd.s32 $0xFFFF8000  }
.LBB2_5:
0x40: {  	[hbm:s15] =	stream.linear.scatter [tilespmem:s12], [sflag:$0x3], $0x400, $0x38;
	[tilespmem:$0x10200] =	vst v63  }
0x41: {  	s15 =	smov.u32 s14;
	s12 =	smov.u32 s13;
	p1 =	sne.s32 s14, $0xF80  }
.Ltmp4:
0x42: {  	s14 =	sadd.s32 $0x80, s14;
	(pc) =	sbr.rel @p1 .LBB2_5-.Ltmp4, $2  }
0x43: {  	_ =	sdelay $0x2  }
0x44: {  	s13 =	sadd.s32 $0x400, s13;
	s15 =	sadd.s32 s15, s11  }
.Ltmp5:
0x45: {  	(pc) =	sbr.rel .LBB2_7-.Ltmp5, $2  }
0x46: {  	_ =	sdelay $0x2  }
0x47: {  	[hbm:s15] =	stream.linear.scatter [tilespmem:s12], [sflag:$0x3], $0x400, $0x38;
	[tilespmem:$0x10200] =	vst v63  }
.LBB2_8:
0x48: {  	_ =	sfence.sel $0x180000  }
0x49: {  	s2 =	simm.s32 $0x2;
	[bflag:$0x0] =	sbarrier.arrive $0xFFFF  }
0x4a: {  	s30 =	simm.s32 $0x3;
	[sflag:s2] =	ssyncpa.u1 $0x1  }
0x4b: {  	s31 =	simm.s32 $0x1;
	[sflag:s30] =	ssyncpa.u1 $0x1  }
0x4c: {  	[sflag:s31] =	ssyncpa.u1 $0x1  }
0x4d: {  	p0 =	sne.s32 s1, $0x0;
	_ =	strace $0x90000047  }
0x4e: {  	s0 =	sadd.s32 @!p0 $0x100000, s0;
	[bflag:$0x2] =	sbarrier.arrive $0xFFFF  }
0x4f: {  	[sflag:s0] =	ssyncadd.tile.s32 @!p0 $0x1;
	_ =	shalt  }
.Lfunc_end2:
_tile_overlayer_lowered:
.L_overlay_start_2:
0x50: {  	(tag) =	ssettag $0x2  }
0x51: {  	s0 =	rddreg [dreg:$0x0];
	s2 =	stileid.u32  }
0x52: {  	s1 =	rddreg [dreg:$0x1];
	p0 =	sne.s32 s2, $0x0  }
0x53: {  	s3 =	rddreg [dreg:$0x2];
	[bflag:$0x3] =	sbarrier.arrive $0xFFFF;
	s2 =	simm.s32 @!p0 $0x1C01  }
0x54: {  	[timem:s3], [sflag:s2] =	dma.local @!p0 [hbm:s0], s1  }
0x55: {  	s0 =	simm.s32 @!p0 $0x1  }
0x56: {  	_ =	swait.ge @!p0 [sflag:s0], s1  }
0x57: {  	s1 =	ssub.s32 @!p0 $0x0, s1;
	[sflag:s0] =	ssyncset.done @!p0 $0x0  }
0x58: {  	[sflag:s0] =	ssyncadd.s32 @!p0 s1  }
0x59: {  	[bflag:$0x3] =	sbarrier.arrive $0xFFFF  }
0x5a: {  	_ =	shalt  }

// kernel: gather_offload_async_start
scs
__scs_entry_jumppad:
0x0: {  	(pc) =	sbr.rel $0x88, $3  }
0x1: {  	(tag) =	ssettag $0x0;
	lr =	simm.s32 $0x1  }
0x2: {  	[smem:$0x3F9B] =	sst lr;
	_ =	strace $0xD0000000  }
0x3: {  	_ = 	snop  }
0x4: {  	_ = 	snop  }
0x5: {  	_ = 	snop  }
0x6: {  	_ = 	snop  }
0x7: {  	_ = 	snop  }
__scs_overlays_trampoline_lowered:
0x8: {  	[smem:$0x3FAA] =	sst s0  }
0x9: {  	[smem:$0x3FAB] =	sst s1  }
0xa: {  	[smem:$0x3FAC] =	sst s2  }
0xb: {  	[smem:$0x3FAD] =	sst s3  }
0xc: {  	[smem:$0x3FAE] =	sst s4  }
0xd: {  	[smem:$0x3FAF] =	sst s5  }
0xe: {  	[smem:$0x3FB0] =	sst s6  }
0xf: {  	[smem:$0x3FB1] =	sst s7  }
0x10: {  	[smem:$0x3FB2] =	sst s8  }
0x11: {  	[smem:$0x3FB3] =	sst s9;
	s0 =	simm.s32 @!p0 $0x0  }
0x12: {  	s1 =	sld [smem:$0x3F99];
	s0 =	simm.s32 @p0 $0x1  }
0x13: {  	[smem:$0x3FB4] =	sst s0;
	s0 =	simm.s32 @!p1 $0x0  }
0x14: {  	s2 =	sld [smem:$0x3F98];
	s0 =	simm.s32 @p1 $0x1  }
0x15: {  	[smem:$0x3FB5] =	sst s0;
	s0 =	simm.s32 @!p2 $0x0  }
0x16: {  	s3 =	sld [smem:$0x3FDB];
	s0 =	simm.s32 @p2 $0x1  }
0x17: {  	s4 =	simm.s32 $0x1BF5;
	[smem:$0x3FB7] =	sst s0  }
0x18: {  	s0 =	sld [smem:$0x3F9A];
	_ =	swait.ge [sflag:s4], $0x0  }
0x19: {  	s7 =	sld [smem:$0x3F9B]  }
0x1a: {  	s8 =	sadd.s32 $0xFFFFE003, lr  }
0x1b: {  	s9 =	sadd.s32 $0xFFFFFEF7, lr;
	s5 =	simm.s32 $0xFFFFFFFF;
	p2 =	slt.u32 s8, $0xFFFFF086  }
0x1c: {  	p1 =	slt.u32 s9, $0xF7A;
	s5 =	simm.s32 @!p2 $0x0  }
0x1d: {  	s5 =	simm.s32 @p1 $0x1;
	p0 =	seq.s32 s7, s2  }
0x1e: {  	s7 =	smul.u32 @!p0 $0xF7A, s2;
	p2 =	seq.s32 @!p0 s5, $0x0  }
0x1f: {  	s9 =	smul.u32 $0xF7A, s1;
	s8 =	simm.s32 @!p0 $0x1BF5;
	p2 =	por !p2, p0  }
0x20: {  	[sflag:s8] =	ssyncset.s32 @!p0 $0xFFFFF086;
	s6 =	sadd.s32 @!p0 s3, s7;
	s7 =	simm.s32 @!p0 $0x108  }
0x21: {  	s3 =	sadd.s32 s3, s9;
	s6 =	sadd.s32 @!p0 $0x88, s6;
	s7 =	simm.s32 @p2 $0x1082  }
0x22: {  	[simem:s7], [sflag:s8] =	dma.local @!p0 [hbm:s6], $0xF7A  }
0x23: {  	s9 =	sor.u32 $0xD0000000, s2;
	s6 =	simm.s32 $0x108;
	_ =	swait.ge @!p0 [sflag:s8], $0x0  }
0x24: {  	s3 =	sadd.s32 $0x88, s3;
	s6 =	simm.s32 @!p1 $0x1082;
	[sflag:s4] =	ssyncset.s32 $0xFFFFF086  }
0x25: {  	[simem:s6], [sflag:s4] =	dma.local [hbm:s3], $0xF7A  }
0x26: {  	[smem:$0x3F9B] =	sst s1;
	(tag) =	ssettag s2;
	_ =	strace s9  }
0x27: {  	s1 =	sld [smem:$0x3FAB]  }
0x28: {  	s2 =	sld [smem:$0x3FAC]  }
0x29: {  	s4 =	sld [smem:$0x3FAE]  }
0x2a: {  	p0 =	seq.s32 s5, $0x0;
	s5 =	sld [smem:$0x3FAF]  }
0x2b: {  	s6 =	sld [smem:$0x3FB0]  }
0x2c: {  	s7 =	sld [smem:$0x3FB1]  }
0x2d: {  	s3 =	simm.s32 $0x108;
	s8 =	sld [smem:$0x3FB2]  }
0x2e: {  	s3 =	simm.s32 @!p0 $0x1082;
	s9 =	sld [smem:$0x3FB3]  }
0x2f: {  	lr =	sadd.s32 s0, s3;
	s0 =	sld [smem:$0x3FAA]  }
0x30: {  	s3 =	sld [smem:$0x3FAD]  }
0x31: {  	[smem:$0x3FB6] =	sst s10  }
0x32: {  	s10 =	sld [smem:$0x3FB4];
	_ =	sdelay $0x3  }
0x33: {  	p0 =	seq.s32 s10, $0x1;
	s10 =	sld [smem:$0x3FB6];
	_ =	sdelay $0x3  }
0x34: {  	[smem:$0x3FB6] =	sst s10  }
0x35: {  	s10 =	sld [smem:$0x3FB5];
	_ =	sdelay $0x3  }
0x36: {  	p1 =	seq.s32 s10, $0x1;
	s10 =	sld [smem:$0x3FB6];
	_ =	sdelay $0x3  }
0x37: {  	[smem:$0x3FB6] =	sst s10  }
0x38: {  	s10 =	sld [smem:$0x3FB7]  }
0x39: {  	_ = 	snop;
	(pc) =	sbr.ind lr, $3  }
0x3a: {  	_ = 	snop  }
0x3b: {  	_ = 	snop  }
0x3c: {  	p2 =	seq.s32 s10, $0x1;
	s10 =	sld [smem:$0x3FB6]  }
0x3d: {  	_ =	shalt  }
0x3e: {  	_ =	shalt  }
0x3f: {  	_ =	shalt  }
0x40: {  	_ =	shalt  }
0x41: {  	_ =	shalt  }
0x42: {  	_ =	shalt  }
0x43: {  	_ =	shalt  }
0x44: {  	_ =	shalt  }
0x45: {  	_ =	shalt  }
0x46: {  	_ =	shalt  }
0x47: {  	_ =	shalt  }
0x48: {  	_ =	shalt  }
0x49: {  	_ =	shalt  }
0x4a: {  	_ =	shalt  }
0x4b: {  	_ =	shalt  }
0x4c: {  	_ =	shalt  }
0x4d: {  	_ =	shalt  }
0x4e: {  	_ =	shalt  }
0x4f: {  	_ =	shalt  }
0x50: {  	_ =	shalt  }
0x51: {  	_ =	shalt  }
0x52: {  	_ =	shalt  }
0x53: {  	_ =	shalt  }
0x54: {  	_ =	shalt  }
0x55: {  	_ =	shalt  }
0x56: {  	_ =	shalt  }
0x57: {  	_ =	shalt  }
0x58: {  	_ =	shalt  }
0x59: {  	_ =	shalt  }
0x5a: {  	_ =	shalt  }
0x5b: {  	_ =	shalt  }
0x5c: {  	_ =	shalt  }
0x5d: {  	_ =	shalt  }
0x5e: {  	_ =	shalt  }
0x5f: {  	_ =	shalt  }
0x60: {  	_ =	shalt  }
0x61: {  	_ =	shalt  }
0x62: {  	_ =	shalt  }
0x63: {  	_ =	shalt  }
0x64: {  	_ =	shalt  }
0x65: {  	_ =	shalt  }
0x66: {  	_ =	shalt  }
0x67: {  	_ =	shalt  }
0x68: {  	_ =	shalt  }
0x69: {  	_ =	shalt  }
0x6a: {  	_ =	shalt  }
0x6b: {  	_ =	shalt  }
0x6c: {  	_ =	shalt  }
0x6d: {  	_ =	shalt  }
0x6e: {  	_ =	shalt  }
0x6f: {  	_ =	shalt  }
0x70: {  	_ =	shalt  }
0x71: {  	_ =	shalt  }
0x72: {  	_ =	shalt  }
0x73: {  	_ =	shalt  }
0x74: {  	_ =	shalt  }
0x75: {  	_ =	shalt  }
0x76: {  	_ =	shalt  }
0x77: {  	_ =	shalt  }
0x78: {  	_ =	shalt  }
0x79: {  	_ =	shalt  }
0x7a: {  	_ =	shalt  }
0x7b: {  	_ =	shalt  }
0x7c: {  	_ =	shalt  }
0x7d: {  	_ =	shalt  }
0x7e: {  	_ =	shalt  }
0x7f: {  	_ =	shalt  }
0x80: {  	_ =	shalt  }
0x81: {  	_ =	shalt  }
0x82: {  	_ =	shalt  }
0x83: {  	_ =	shalt  }
0x84: {  	_ =	shalt  }
0x85: {  	_ =	shalt  }
0x86: {  	_ =	shalt  }
0x87: {  	_ =	shalt  }
.Lfunc_end0:
.L_simem_size_0:
called_computation_lowered:
.L_overlay_start_0:
0x88: {  	s2 =	sld [smem:$0x3FD9]  }
0x89: {  	s3 =	sld [smem:$0x3FFE];
	_ =	sdelay $0x1  }
0x8a: {  	s1 =	srdreg.scid  }
0x8b: {  	s0 =	sand.u32 $0x1, s1  }
0x8c: {  	s17 =	sshll.u32 s0, $0xA;
	s2 =	sadd.s32 s3, s2  }
0x8d: {  	s2 =	sadd.s32 s2, s17  }
0x8e: {  	[smem:$0x3FC2] =	sst s2  }
0x8f: {  	_ = 	snop  }
0x90: {  	(tm) =	ssettm $0x1  }
0x91: {  	s18 =	sld [smem:$0x3FFB];
	_ =	sdelay $0x3  }
0x92: {  	_ =	strace s18  }
0x93: {  	s2 =	sld [smem:$0x3FFC];
	_ =	sdelay $0x3  }
0x94: {  	_ =	strace s2  }
0x95: {  	s2 =	sld [smem:$0x3FFD];
	_ =	sdelay $0x3  }
0x96: {  	_ =	strace s2  }
0x97: {  	_ =	strace $0x8FFFFFFF  }
0x98: {  	s19 =	sld [smem:$0x3FDB];
	_ =	sdelay $0x1  }
0x99: {  	s20 =	simm.s32 $_scs_section_size  }
0x9a: {  	s4 =	simm.s32 $_size__tile_overlayer_lowered;
	s5 =	simm.s32 $_tile_overlayer_lowered  }
0x9b: {  	s6 =	simm.s32 $0x1BFF;
	s21 =	sshll.u32 s5, $0x1;
	s3 =	sadd.s32 s20, s19  }
0x9c: {  	s22 =	simm.s32 $0x0;
	s4 =	sshll.u32 s4, $0x1;
	s5 =	sadd.s32 s21, s3  }
0x9d: {  	[timem:s22], [sflag:s6] =	dma.local [hbm:s5], s4  }
0x9e: {  	_ =	swait.ge [sflag:s6], s4  }
0x9f: {  	s4 =	ssub.s32 $0x0, s4;
	[sflag:s6] =	ssyncset.done $0x0  }
0xa0: {  	[sflag:s6] =	ssyncadd.s32 s4;
	_ =	sdelay $0x1  }
0xa1: {  	s23 =	simm.s32 $0x1B8B  }
0xa2: {  	_ =	swait.ge [sflag:s23], $0x1  }
0xa3: {  	[sflag:s23] =	ssyncset.done $0x0  }
0xa4: {  	[sflag:s23] =	ssyncadd.s32 $0xFFFFFFFF  }
0xa5: {  	s4 =	sld [smem:$0x0]  }
0xa6: {  	s5 =	sand.u32 $0xFFFFFFFE, s1  }
0xa7: {  	p0 =	sne.s32 s1, s5  }
0xa8: {  	s5 =	sshll.u32 @p0 s5, $0xE  }
0xa9: {  	s5 =	sadd.s32 @p0 $0x11B8D, s5;
	s6 =	sshll.u32 @p0 s4, $0x11  }
0xaa: {  	s5 =	sor.u32 @p0 s6, s5  }
0xab: {  	[sflag:s5] =	ssyncadd.remote.s32 @p0 $0x1;
	_ =	sdelay $0x1  }
0xac: {  	s5 =	simm.s32 @p0 $0x1B8D  }
0xad: {  	_ =	swait.eq @p0 [sflag:s5], $0x1  }
0xae: {  	[sflag:s5] =	ssyncadd.s32 @p0 $0xFFFFFFFF  }
0xaf: {  	s6 =	sshll.u32 @!p0 s1, $0xE  }
0xb0: {  	s6 =	sor.u32 @!p0 $0x4000, s6;
	s5 =	simm.s32 @!p0 $0x1B8D  }
0xb1: {  	s4 =	sshll.u32 @!p0 s4, $0x11;
	s6 =	sadd.s32 @!p0 $0x11B8D, s6;
	_ =	swait.eq @!p0 [sflag:s5], $0x1  }
0xb2: {  	s4 =	sor.u32 @!p0 s4, s6;
	[sflag:s5] =	ssyncadd.s32 @!p0 $0xFFFFFFFF  }
0xb3: {  	s25 =	simm.s32 $0x1B8E;
	s24 =	sld [smem:$0x3FFE];
	[sflag:s4] =	ssyncadd.remote.s32 @!p0 $0x1  }
0xb4: {  	s26 =	simm.s32 $execute0_lowered;
	[smem:$0x3FD2] =	sst s25  }
0xb5: {  	s5 =	sshll.u32 s26, $0x1;
	_ =	strace $0x80000049;
	[dreg:$0x1] =	wrdreg $0xFFFFFFFF  }
0xb6: {  	s28 =	simm.s32 $_size_execute0_lowered;
	s3 =	sadd.s32 s3, s5;
	[dreg:$0x0] =	wrdreg $0x0  }
0xb7: {  	s5 =	sshll.u32 s28, $0x1;
	[dreg:$0x2] =	wrdreg s3  }
0xb8: {  	[dreg:$0x3] =	wrdreg s5  }
0xb9: {  	[dreg:$0x4] =	wrdreg $0xC0  }
0xba: {  	_ =	task [dreg:s22], $0x5FFFF  }
0xbb: {  	[dreg:$0x1] =	wrdreg $0xFFFFFFFF  }
0xbc: {  	[dreg:$0x0] =	wrdreg $0x60  }
0xbd: {  	[dreg:$0x2] =	wrdreg s24  }
0xbe: {  	[dreg:$0x3] =	wrdreg $0x9  }
0xbf: {  	_ =	task.clear_ibuf [dreg:s22], $0x4FFFF;
	_ =	strace $0x90000049  }
0xc0: {  	s29 =	simm.s32 $0x9;
	_ =	strace $0x8000004B  }
0xc1: {  	_ =	swait.ge [sflag:s29], $0x1  }
0xc2: {  	[sflag:s29] =	ssyncadd.s32 $0xFFFFFFFF  }
0xc3: {  	_ =	strace $0x9000004B  }
0xc4: {  	_ =	sfence  }
0xc5: {  	s30 =	sld [smem:$0x0];
	_ =	sdelay $0x2  }
0xc6: {  	s31 =	sshll.u32 s1, $0xD;
	s1 =	sshrl.u32 s1, $0x2  }
0xc7: {  	s4 =	sand.u32 $0x4000, s31;
	s1 =	sadd.s32 s1, s30  }
0xc8: {  	s0 =	sor.u32 s4, s0;
	s1 =	sshll.u32 s1, $0x11  }
0xc9: {  	s0 =	sor.u32 s1, s0  }
0xca: {  	s0 =	sadd.s32 $0x8F2B, s0  }
0xcb: {  	[sflag:s0] =	ssyncadd.remote.s32 $0x1  }
0xcc: {  	_ =	sfence.sel $0xFFFF  }
0xcd: {  	[dreg:$0x0] =	wrdreg $0xFFFFFFFF;
	(pc) =	sbr.abs _section_cstart, $3  }
0xce: {  	[dreg:$0x1] =	wrdreg $0xFFFFFFFF  }
0xcf: {  	_ =	task.clear_ibuf [dreg:s22], $0x2FFFF;
	_ =	strace $0x9FFFFFFF  }
0xd0: {  	(tm) =	ssettm $0x7FFFFFFF  }
0xd1: {  	_ =	shalt  }
tec
execute0_lowered:
.L_overlay_start_1:
0x0: {  	(tag) =	ssettag $0x1  }
0x1: {  	s7 =	rddreg [dreg:$0x0]  }
0x2: {  	s0 =	rddreg [dreg:$0x1];
	_ =	strace $0x8000004A  }
0x3: {  	s1 =	srdreg.scid;
	s4 =	simm.s32 $0x1;
	s9 =	simm.s32 $0x3  }
0x4: {  	s11 =	simm.s32 $0x0;
	p0 =	por $0x0, $0x0;
	s5 =	sshll.u32 s1, $0x4  }
.Ltmp0:
0x5: {  	s1 =	stileid.u32;
	s5 =	sand.u32 $0x10, s5;
	(pc) =	sbr.rel .LBB2_1-.Ltmp0, $4  }
0x6: {  	s2 =	sadd.s32 $0x82000, s7;
	s3 =	sadd.s32 $0x1800, s7;
	s6 =	sor.u32 s1, s5  }
0x7: {  	[sflag:s4] =	ssyncpa.u1 $0x0;
	s5 =	simm.s32 $0x2;
	s6 =	sshll.u32 s6, $0x9  }
0x8: {  	s7 =	sadd.s32 $0xC2000, s7;
	[sflag:s5] =	ssyncpa.u1 $0x0;
	s8 =	sadd.s32 $0x200, s6  }
0x9: {  	vm0 =	vmmov $0xff;
	vm1 =	vcmask $0x3F20;
	[sflag:s9] =	ssyncpa.u1 $0x0;
	s10 =	smov.u32 s6;
	s9 =	simm.s32 $0x0  }
.LBB2_7:
0xa: {  	p1 =	slt.u32 s9, $0x2;
	s11 =	sadd.s32 $0x100, s10  }
0xb: {  	s13 =	smov.u32 s6;
	s9 =	sadd.s32 $0x1, s9;
	p2 =	slt.s32 s11, s8  }
0xc: {  	s13 =	smov.u32 @p2 s11;
	p2 =	sne.s32 s9, $0x4  }
.Ltmp1:
0xd: {  	_ = 	snop;
	(pc) =	sbr.rel @!p2 .LBB2_8-.Ltmp1, $4  }
0xe: {  	s12 =	simm.s32 @!p1 $0x3  }
0xf: {  	_ =	swait.ge @!p1 [sflag:s12], $0x8000  }
0x10: {  	p0 =	por !p0, !p0;
	[sflag:s12] =	ssyncset.done @!p1 $0x0  }
0x11: {  	s11 =	smov.u32 s10;
	s10 =	smov.u32 s13;
	[sflag:s12] =	ssyncadd.s32 @!p1 $0xFFFF8000  }
.LBB2_1:
0x12: {  	p1 =	sgt.u32 s9, $0x1  }
0x13: {  	s12 =	sshll.u32 @!p1 s9, $0x8;
	s13 =	sshrl.u32 @!p1 s10, $0x3  }
0x14: {  	s14 =	sand.u32 @!p1 $0x7, s10;
	s12 =	sxor.u32 @!p1 $0x100, s12;
	s13 =	sadd.s32 @!p1 s3, s13  }
0x15: {  	[tilespmem:s12], [sflag:$0x2] =	stream.linear.gather @!p1 [hbm4b:s13+s14], $0x100, $0x38;
	[tilespmem:$0x10200] =	vst v63  }
0x16: {  	p1 =	seq.s32 s9, $0x0  }
0x17: {  	p2 =	seq.s32 @!p1 s9, $0x3  }
0x18: {  	p1 =	por p1, p2  }
.Ltmp2:
0x19: {  	_ = 	snop;
	(pc) =	sbr.rel @p1 .LBB2_7-.Ltmp2, $1  }
0x1a: {  	_ =	sdelay $0x3  }
0x1b: {  	s12 =	simm.s32 $0x1  }
0x1c: {  	_ =	swait.ge [sflag:s5], $0x100;
	s12 =	simm.s32 @!p0 $0x0  }
0x1d: {  	[sflag:s5] =	ssyncset.done $0x0;
	s14 =	sshll.u32 s12, $0x8  }
0x1e: {  	[sflag:s5] =	ssyncadd.s32 $0xFFFFFF00;
	s13 =	sadd.s32 $0x0, s14  }
0x1f: {  	v0 =	vld.msk [tilespmem:s13+$0x0 ss:$0x1], $0xffff;
	_ =	sdelay $0x4  }
0x20: {  	vm2 =	vgt.s32 v0, $0x0  }
0x21: {  	v0 =	vnsel vm2, $0x0, v0  }
0x22: {  	v0 =	vmin.u32 v0, $0x3FFF  }
0x23: {  	v0 =	vshll.u32 v0, $0x4;
	_ =	sdelay $0x2  }
0x24: {  	s12 =	sshll.u32 s12, $0xF  }
0x25: {  	s12 =	sor.u32 $0x200, s12  }
0x26: {  	[tilespmem:s12], [sflag:$0x1] =	stream.indirect_vreg.gather [hbm:s2], $0x80, v0, vm0, $0x38;
	[tilespmem:$0x10200] =	vst v63  }
0x27: {  	s15 =	sadd.s32 $0x10, s14;
	s13 =	sadd.s32 $0x400, s12  }
0x28: {  	[tilespmem:s13], [sflag:$0x1] =	stream.indirect_vreg.gather [hbm:s2], $0x80, v0, vm1, $0x38;
	[tilespmem:$0x10200] =	vst v63  }
0x29: {  	s16 =	simm.s32 $0x80;
	v0 =	vld.msk [tilespmem:s15+$0x0 ss:$0x1], $0xffff;
	s15 =	smov.u32 s12  }
.LBB2_3:
0x2a: {  	p1 =	sne.s32 s16, $0x3C0;
	_ =	sdelay $0x4  }
0x2b: {  	vm2 =	vgt.s32 v0, $0x0  }
0x2c: {  	v0 =	vnsel vm2, $0x0, v0  }
0x2d: {  	v0 =	vmin.u32 v0, $0x3FFF  }
0x2e: {  	v0 =	vshll.u32 v0, $0x4;
	_ =	sdelay $0x3  }
.Ltmp3:
0x2f: {  	s17 =	sshra.s32 s16, $0x2;
	s15 =	sadd.s32 $0x800, s15;
	(pc) =	sbr.rel @p1 .LBB2_3-.Ltmp3, $4  }
0x30: {  	[tilespmem:s15], [sflag:$0x1] =	stream.indirect_vreg.gather [hbm:s2], $0x80, v0, vm0, $0x38;
	[tilespmem:$0x10200] =	vst v63  }
0x31: {  	s17 =	sadd.s32 s17, s14;
	s18 =	sadd.s32 $0x400, s15  }
0x32: {  	[tilespmem:s18], [sflag:$0x1] =	stream.indirect_vreg.gather [hbm:s2], $0x80, v0, vm1, $0x38;
	[tilespmem:$0x10200] =	vst v63  }
0x33: {  	s16 =	sadd.s32 $0x40, s16;
	v0 =	vld.msk [tilespmem:s17+$0x0 ss:$0x1], $0xffff  }
0x34: {  	_ =	sdelay $0x3  }
0x35: {  	vm2 =	vgt.s32 v0, $0x0  }
0x36: {  	v0 =	vnsel vm2, $0x0, v0  }
0x37: {  	v0 =	vmin.u32 v0, $0x3FFF  }
0x38: {  	v0 =	vshll.u32 v0, $0x4;
	_ =	sdelay $0x3  }
0x39: {  	s14 =	sadd.s32 $0x800, s15  }
0x3a: {  	[tilespmem:s14], [sflag:$0x1] =	stream.indirect_vreg.gather [hbm:s2], $0x80, v0, vm0, $0x38;
	[tilespmem:$0x10200] =	vst v63  }
0x3b: {  	s14 =	sadd.s32 $0x400, s14  }
0x3c: {  	[tilespmem:s14], [sflag:$0x1] =	stream.indirect_vreg.gather [hbm:s2], $0x80, v0, vm1, $0x38;
	[tilespmem:$0x10200] =	vst v63  }
0x3d: {  	s11 =	sshll.u32 s11, $0x4;
	_ =	swait.ge [sflag:s4], $0x8000  }
0x3e: {  	s11 =	sadd.s32 s11, s7;
	[sflag:s4] =	ssyncset.done $0x0  }
0x3f: {  	s15 =	sadd.s32 $0x0, s11;
	s14 =	simm.s32 $0x80;
	[sflag:s4] =	ssyncadd.s32 $0xFFFF8000  }
.LBB2_5:
0x40: {  	[hbm:s15] =	stream.linear.scatter [tilespmem:s12], [sflag:$0x3], $0x400, $0x38;
	[tilespmem:$0x10200] =	vst v63  }
0x41: {  	s15 =	smov.u32 s14;
	s12 =	smov.u32 s13;
	p1 =	sne.s32 s14, $0xF80  }
.Ltmp4:
0x42: {  	s14 =	sadd.s32 $0x80, s14;
	(pc) =	sbr.rel @p1 .LBB2_5-.Ltmp4, $2  }
0x43: {  	_ =	sdelay $0x2  }
0x44: {  	s13 =	sadd.s32 $0x400, s13;
	s15 =	sadd.s32 s15, s11  }
.Ltmp5:
0x45: {  	(pc) =	sbr.rel .LBB2_7-.Ltmp5, $2  }
0x46: {  	_ =	sdelay $0x2  }
0x47: {  	[hbm:s15] =	stream.linear.scatter [tilespmem:s12], [sflag:$0x3], $0x400, $0x38;
	[tilespmem:$0x10200] =	vst v63  }
.LBB2_8:
0x48: {  	_ =	sfence.sel $0x180000  }
0x49: {  	s2 =	simm.s32 $0x2;
	[bflag:$0x0] =	sbarrier.arrive $0xFFFF  }
0x4a: {  	s30 =	simm.s32 $0x3;
	[sflag:s2] =	ssyncpa.u1 $0x1  }
0x4b: {  	s31 =	simm.s32 $0x1;
	[sflag:s30] =	ssyncpa.u1 $0x1  }
0x4c: {  	[sflag:s31] =	ssyncpa.u1 $0x1  }
0x4d: {  	p0 =	sne.s32 s1, $0x0;
	_ =	strace $0x9000004A  }
0x4e: {  	s0 =	sadd.s32 @!p0 $0x100000, s0;
	[bflag:$0x2] =	sbarrier.arrive $0xFFFF  }
0x4f: {  	[sflag:s0] =	ssyncadd.tile.s32 @!p0 $0x1;
	_ =	shalt  }
.Lfunc_end2:
_tile_overlayer_lowered:
.L_overlay_start_2:
0x50: {  	(tag) =	ssettag $0x2  }
0x51: {  	s0 =	rddreg [dreg:$0x0];
	s2 =	stileid.u32  }
0x52: {  	s1 =	rddreg [dreg:$0x1];
	p0 =	sne.s32 s2, $0x0  }
0x53: {  	s3 =	rddreg [dreg:$0x2];
	[bflag:$0x3] =	sbarrier.arrive $0xFFFF;
	s2 =	simm.s32 @!p0 $0x1C01  }
0x54: {  	[timem:s3], [sflag:s2] =	dma.local @!p0 [hbm:s0], s1  }
0x55: {  	s0 =	simm.s32 @!p0 $0x1  }
0x56: {  	_ =	swait.ge @!p0 [sflag:s0], s1  }
0x57: {  	s1 =	ssub.s32 @!p0 $0x0, s1;
	[sflag:s0] =	ssyncset.done @!p0 $0x0  }
0x58: {  	[sflag:s0] =	ssyncadd.s32 @!p0 s1  }
0x59: {  	[bflag:$0x3] =	sbarrier.arrive $0xFFFF  }
0x5a: {  	_ =	shalt  }

// kernel: kernel.11.cloned.1.call-start
scs
__scs_entry_jumppad:
0x0: {  	(pc) =	sbr.rel $0x88, $3  }
0x1: {  	(tag) =	ssettag $0x0;
	lr =	simm.s32 $0x1  }
0x2: {  	[smem:$0x3F9B] =	sst lr;
	_ =	strace $0xD0000000  }
0x3: {  	_ = 	snop  }
0x4: {  	_ = 	snop  }
0x5: {  	_ = 	snop  }
0x6: {  	_ = 	snop  }
0x7: {  	_ = 	snop  }
__scs_overlays_trampoline_lowered:
0x8: {  	[smem:$0x3FAA] =	sst s0  }
0x9: {  	[smem:$0x3FAB] =	sst s1  }
0xa: {  	[smem:$0x3FAC] =	sst s2  }
0xb: {  	[smem:$0x3FAD] =	sst s3  }
0xc: {  	[smem:$0x3FAE] =	sst s4  }
0xd: {  	[smem:$0x3FAF] =	sst s5  }
0xe: {  	[smem:$0x3FB0] =	sst s6  }
0xf: {  	[smem:$0x3FB1] =	sst s7  }
0x10: {  	[smem:$0x3FB2] =	sst s8  }
0x11: {  	[smem:$0x3FB3] =	sst s9;
	s0 =	simm.s32 @!p0 $0x0  }
0x12: {  	s1 =	sld [smem:$0x3F99];
	s0 =	simm.s32 @p0 $0x1  }
0x13: {  	[smem:$0x3FB4] =	sst s0;
	s0 =	simm.s32 @!p1 $0x0  }
0x14: {  	s2 =	sld [smem:$0x3F98];
	s0 =	simm.s32 @p1 $0x1  }
0x15: {  	[smem:$0x3FB5] =	sst s0;
	s0 =	simm.s32 @!p2 $0x0  }
0x16: {  	s3 =	sld [smem:$0x3FDB];
	s0 =	simm.s32 @p2 $0x1  }
0x17: {  	s4 =	simm.s32 $0x1BF5;
	[smem:$0x3FB7] =	sst s0  }
0x18: {  	s0 =	sld [smem:$0x3F9A];
	_ =	swait.ge [sflag:s4], $0x0  }
0x19: {  	s7 =	sld [smem:$0x3F9B]  }
0x1a: {  	s8 =	sadd.s32 $0xFFFFE003, lr  }
0x1b: {  	s9 =	sadd.s32 $0xFFFFFEF7, lr;
	s5 =	simm.s32 $0xFFFFFFFF;
	p2 =	slt.u32 s8, $0xFFFFF086  }
0x1c: {  	p1 =	slt.u32 s9, $0xF7A;
	s5 =	simm.s32 @!p2 $0x0  }
0x1d: {  	s5 =	simm.s32 @p1 $0x1;
	p0 =	seq.s32 s7, s2  }
0x1e: {  	s7 =	smul.u32 @!p0 $0xF7A, s2;
	p2 =	seq.s32 @!p0 s5, $0x0  }
0x1f: {  	s9 =	smul.u32 $0xF7A, s1;
	s8 =	simm.s32 @!p0 $0x1BF5;
	p2 =	por !p2, p0  }
0x20: {  	[sflag:s8] =	ssyncset.s32 @!p0 $0xFFFFF086;
	s6 =	sadd.s32 @!p0 s3, s7;
	s7 =	simm.s32 @!p0 $0x108  }
0x21: {  	s3 =	sadd.s32 s3, s9;
	s6 =	sadd.s32 @!p0 $0x88, s6;
	s7 =	simm.s32 @p2 $0x1082  }
0x22: {  	[simem:s7], [sflag:s8] =	dma.local @!p0 [hbm:s6], $0xF7A  }
0x23: {  	s9 =	sor.u32 $0xD0000000, s2;
	s6 =	simm.s32 $0x108;
	_ =	swait.ge @!p0 [sflag:s8], $0x0  }
0x24: {  	s3 =	sadd.s32 $0x88, s3;
	s6 =	simm.s32 @!p1 $0x1082;
	[sflag:s4] =	ssyncset.s32 $0xFFFFF086  }
0x25: {  	[simem:s6], [sflag:s4] =	dma.local [hbm:s3], $0xF7A  }
0x26: {  	[smem:$0x3F9B] =	sst s1;
	(tag) =	ssettag s2;
	_ =	strace s9  }
0x27: {  	s1 =	sld [smem:$0x3FAB]  }
0x28: {  	s2 =	sld [smem:$0x3FAC]  }
0x29: {  	s4 =	sld [smem:$0x3FAE]  }
0x2a: {  	p0 =	seq.s32 s5, $0x0;
	s5 =	sld [smem:$0x3FAF]  }
0x2b: {  	s6 =	sld [smem:$0x3FB0]  }
0x2c: {  	s7 =	sld [smem:$0x3FB1]  }
0x2d: {  	s3 =	simm.s32 $0x108;
	s8 =	sld [smem:$0x3FB2]  }
0x2e: {  	s3 =	simm.s32 @!p0 $0x1082;
	s9 =	sld [smem:$0x3FB3]  }
0x2f: {  	lr =	sadd.s32 s0, s3;
	s0 =	sld [smem:$0x3FAA]  }
0x30: {  	s3 =	sld [smem:$0x3FAD]  }
0x31: {  	[smem:$0x3FB6] =	sst s10  }
0x32: {  	s10 =	sld [smem:$0x3FB4];
	_ =	sdelay $0x3  }
0x33: {  	p0 =	seq.s32 s10, $0x1;
	s10 =	sld [smem:$0x3FB6];
	_ =	sdelay $0x3  }
0x34: {  	[smem:$0x3FB6] =	sst s10  }
0x35: {  	s10 =	sld [smem:$0x3FB5];
	_ =	sdelay $0x3  }
0x36: {  	p1 =	seq.s32 s10, $0x1;
	s10 =	sld [smem:$0x3FB6];
	_ =	sdelay $0x3  }
0x37: {  	[smem:$0x3FB6] =	sst s10  }
0x38: {  	s10 =	sld [smem:$0x3FB7]  }
0x39: {  	_ = 	snop;
	(pc) =	sbr.ind lr, $3  }
0x3a: {  	_ = 	snop  }
0x3b: {  	_ = 	snop  }
0x3c: {  	p2 =	seq.s32 s10, $0x1;
	s10 =	sld [smem:$0x3FB6]  }
0x3d: {  	_ =	shalt  }
0x3e: {  	_ =	shalt  }
0x3f: {  	_ =	shalt  }
0x40: {  	_ =	shalt  }
0x41: {  	_ =	shalt  }
0x42: {  	_ =	shalt  }
0x43: {  	_ =	shalt  }
0x44: {  	_ =	shalt  }
0x45: {  	_ =	shalt  }
0x46: {  	_ =	shalt  }
0x47: {  	_ =	shalt  }
0x48: {  	_ =	shalt  }
0x49: {  	_ =	shalt  }
0x4a: {  	_ =	shalt  }
0x4b: {  	_ =	shalt  }
0x4c: {  	_ =	shalt  }
0x4d: {  	_ =	shalt  }
0x4e: {  	_ =	shalt  }
0x4f: {  	_ =	shalt  }
0x50: {  	_ =	shalt  }
0x51: {  	_ =	shalt  }
0x52: {  	_ =	shalt  }
0x53: {  	_ =	shalt  }
0x54: {  	_ =	shalt  }
0x55: {  	_ =	shalt  }
0x56: {  	_ =	shalt  }
0x57: {  	_ =	shalt  }
0x58: {  	_ =	shalt  }
0x59: {  	_ =	shalt  }
0x5a: {  	_ =	shalt  }
0x5b: {  	_ =	shalt  }
0x5c: {  	_ =	shalt  }
0x5d: {  	_ =	shalt  }
0x5e: {  	_ =	shalt  }
0x5f: {  	_ =	shalt  }
0x60: {  	_ =	shalt  }
0x61: {  	_ =	shalt  }
0x62: {  	_ =	shalt  }
0x63: {  	_ =	shalt  }
0x64: {  	_ =	shalt  }
0x65: {  	_ =	shalt  }
0x66: {  	_ =	shalt  }
0x67: {  	_ =	shalt  }
0x68: {  	_ =	shalt  }
0x69: {  	_ =	shalt  }
0x6a: {  	_ =	shalt  }
0x6b: {  	_ =	shalt  }
0x6c: {  	_ =	shalt  }
0x6d: {  	_ =	shalt  }
0x6e: {  	_ =	shalt  }
0x6f: {  	_ =	shalt  }
0x70: {  	_ =	shalt  }
0x71: {  	_ =	shalt  }
0x72: {  	_ =	shalt  }
0x73: {  	_ =	shalt  }
0x74: {  	_ =	shalt  }
0x75: {  	_ =	shalt  }
0x76: {  	_ =	shalt  }
0x77: {  	_ =	shalt  }
0x78: {  	_ =	shalt  }
0x79: {  	_ =	shalt  }
0x7a: {  	_ =	shalt  }
0x7b: {  	_ =	shalt  }
0x7c: {  	_ =	shalt  }
0x7d: {  	_ =	shalt  }
0x7e: {  	_ =	shalt  }
0x7f: {  	_ =	shalt  }
0x80: {  	_ =	shalt  }
0x81: {  	_ =	shalt  }
0x82: {  	_ =	shalt  }
0x83: {  	_ =	shalt  }
0x84: {  	_ =	shalt  }
0x85: {  	_ =	shalt  }
0x86: {  	_ =	shalt  }
0x87: {  	_ =	shalt  }
.Lfunc_end0:
.L_simem_size_0:
called_computation.3_lowered:
.L_overlay_start_0:
0x88: {  	s2 =	sld [smem:$0x3FD9]  }
0x89: {  	s3 =	sld [smem:$0x3FFE];
	_ =	sdelay $0x1  }
0x8a: {  	s1 =	srdreg.scid  }
0x8b: {  	s0 =	sand.u32 $0x1, s1  }
0x8c: {  	s17 =	sshll.u32 s0, $0xA;
	s2 =	sadd.s32 s3, s2  }
0x8d: {  	s2 =	sadd.s32 s2, s17  }
0x8e: {  	[smem:$0x3FC2] =	sst s2  }
0x8f: {  	_ = 	snop  }
0x90: {  	(tm) =	ssettm $0x1  }
0x91: {  	s18 =	sld [smem:$0x3FFB];
	_ =	sdelay $0x3  }
0x92: {  	_ =	strace s18  }
0x93: {  	s2 =	sld [smem:$0x3FFC];
	_ =	sdelay $0x3  }
0x94: {  	_ =	strace s2  }
0x95: {  	s2 =	sld [smem:$0x3FFD];
	_ =	sdelay $0x3  }
0x96: {  	_ =	strace s2  }
0x97: {  	_ =	strace $0x8FFFFFFF  }
0x98: {  	s19 =	sld [smem:$0x3FDB];
	_ =	sdelay $0x1  }
0x99: {  	s20 =	simm.s32 $_scs_section_size  }
0x9a: {  	s4 =	simm.s32 $_size__tile_overlayer_lowered;
	s5 =	simm.s32 $_tile_overlayer_lowered  }
0x9b: {  	s6 =	simm.s32 $0x1BFF;
	s21 =	sshll.u32 s5, $0x1;
	s3 =	sadd.s32 s20, s19  }
0x9c: {  	s22 =	simm.s32 $0x0;
	s4 =	sshll.u32 s4, $0x1;
	s5 =	sadd.s32 s21, s3  }
0x9d: {  	[timem:s22], [sflag:s6] =	dma.local [hbm:s5], s4  }
0x9e: {  	_ =	swait.ge [sflag:s6], s4  }
0x9f: {  	s4 =	ssub.s32 $0x0, s4;
	[sflag:s6] =	ssyncset.done $0x0  }
0xa0: {  	[sflag:s6] =	ssyncadd.s32 s4;
	_ =	sdelay $0x1  }
0xa1: {  	s23 =	simm.s32 $0x1B8B  }
0xa2: {  	_ =	swait.ge [sflag:s23], $0x1  }
0xa3: {  	[sflag:s23] =	ssyncset.done $0x0  }
0xa4: {  	[sflag:s23] =	ssyncadd.s32 $0xFFFFFFFF  }
0xa5: {  	s4 =	sld [smem:$0x0]  }
0xa6: {  	s5 =	sand.u32 $0xFFFFFFFE, s1  }
0xa7: {  	p0 =	sne.s32 s1, s5  }
0xa8: {  	s5 =	sshll.u32 @p0 s5, $0xE  }
0xa9: {  	s5 =	sadd.s32 @p0 $0x11B8D, s5;
	s6 =	sshll.u32 @p0 s4, $0x11  }
0xaa: {  	s5 =	sor.u32 @p0 s6, s5  }
0xab: {  	[sflag:s5] =	ssyncadd.remote.s32 @p0 $0x1;
	_ =	sdelay $0x1  }
0xac: {  	s5 =	simm.s32 @p0 $0x1B8D  }
0xad: {  	_ =	swait.eq @p0 [sflag:s5], $0x1  }
0xae: {  	[sflag:s5] =	ssyncadd.s32 @p0 $0xFFFFFFFF  }
0xaf: {  	s6 =	sshll.u32 @!p0 s1, $0xE  }
0xb0: {  	s6 =	sor.u32 @!p0 $0x4000, s6;
	s5 =	simm.s32 @!p0 $0x1B8D  }
0xb1: {  	s4 =	sshll.u32 @!p0 s4, $0x11;
	s6 =	sadd.s32 @!p0 $0x11B8D, s6;
	_ =	swait.eq @!p0 [sflag:s5], $0x1  }
0xb2: {  	s4 =	sor.u32 @!p0 s4, s6;
	[sflag:s5] =	ssyncadd.s32 @!p0 $0xFFFFFFFF  }
0xb3: {  	s25 =	simm.s32 $0x1B8E;
	s24 =	sld [smem:$0x3FFE];
	[sflag:s4] =	ssyncadd.remote.s32 @!p0 $0x1  }
0xb4: {  	s26 =	simm.s32 $execute0_lowered;
	[smem:$0x3FD2] =	sst s25  }
0xb5: {  	s5 =	sshll.u32 s26, $0x1;
	_ =	strace $0x8000004F;
	[dreg:$0x1] =	wrdreg $0xFFFFFFFF  }
0xb6: {  	s28 =	simm.s32 $_size_execute0_lowered;
	s3 =	sadd.s32 s3, s5;
	[dreg:$0x0] =	wrdreg $0x0  }
0xb7: {  	s5 =	sshll.u32 s28, $0x1;
	[dreg:$0x2] =	wrdreg s3  }
0xb8: {  	[dreg:$0x3] =	wrdreg s5  }
0xb9: {  	[dreg:$0x4] =	wrdreg $0xC0  }
0xba: {  	_ =	task [dreg:s22], $0x5FFFF  }
0xbb: {  	[dreg:$0x1] =	wrdreg $0xFFFFFFFF  }
0xbc: {  	[dreg:$0x0] =	wrdreg $0x60  }
0xbd: {  	[dreg:$0x2] =	wrdreg s24  }
0xbe: {  	[dreg:$0x3] =	wrdreg $0x9  }
0xbf: {  	_ =	task.clear_ibuf [dreg:s22], $0x4FFFF;
	_ =	strace $0x9000004F  }
0xc0: {  	s29 =	simm.s32 $0x9;
	_ =	strace $0x80000051  }
0xc1: {  	_ =	swait.ge [sflag:s29], $0x1  }
0xc2: {  	[sflag:s29] =	ssyncadd.s32 $0xFFFFFFFF  }
0xc3: {  	_ =	strace $0x90000051  }
0xc4: {  	_ =	sfence  }
0xc5: {  	s30 =	sld [smem:$0x0];
	_ =	sdelay $0x2  }
0xc6: {  	s31 =	sshll.u32 s1, $0xD;
	s1 =	sshrl.u32 s1, $0x2  }
0xc7: {  	s4 =	sand.u32 $0x4000, s31;
	s1 =	sadd.s32 s1, s30  }
0xc8: {  	s0 =	sor.u32 s4, s0;
	s1 =	sshll.u32 s1, $0x11  }
0xc9: {  	s0 =	sor.u32 s1, s0  }
0xca: {  	s0 =	sadd.s32 $0x8F2B, s0  }
0xcb: {  	[sflag:s0] =	ssyncadd.remote.s32 $0x1  }
0xcc: {  	_ =	sfence.sel $0xFFFF  }
0xcd: {  	[dreg:$0x0] =	wrdreg $0xFFFFFFFF;
	(pc) =	sbr.abs _section_cstart, $3  }
0xce: {  	[dreg:$0x1] =	wrdreg $0xFFFFFFFF  }
0xcf: {  	_ =	task.clear_ibuf [dreg:s22], $0x2FFFF;
	_ =	strace $0x9FFFFFFF  }
0xd0: {  	(tm) =	ssettm $0x7FFFFFFF  }
0xd1: {  	_ =	shalt  }
tec
execute0_lowered:
.L_overlay_start_1:
0x0: {  	(tag) =	ssettag $0x1  }
0x1: {  	s1 =	srdreg.scid  }
0x2: {  	s0 =	stileid.u32;
	s4 =	rddreg [dreg:$0x0];
	s2 =	simm.s32 $0x0  }
0x3: {  	s15 =	simm.s32 $0x80;
	s16 =	simm.s32 $0x2800;
	s17 =	simm.s32 $0x4800  }
0x4: {  	s18 =	simm.s32 $0x100;
	s19 =	simm.s32 $0x6800;
	s20 =	simm.s32 $0x180  }
0x5: {  	s21 =	simm.s32 $0x8800;
	s22 =	simm.s32 $0x1;
	s23 =	simm.s32 $0x2  }
0x6: {  	s24 =	simm.s32 $0x3;
	s25 =	simm.s32 $0x4;
	s9 =	smul.u32 $0x140000, s0  }
0x7: {  	s26 =	simm.s32 $0x0;
	s5 =	sand.u32 $0x1, s1;
	s11 =	smul.u32 $0x5000, s0  }
0x8: {  	s3 =	sshll.u32 s0, $0x1;
	[smem:$0x7FF] =	sst s2;
	s29 =	smul.u32 $0x2800, s5  }
0x9: {  	s10 =	sadd.s32 $0xB32000, s4;
	s6 =	sor.u32 s5, s3;
	s14 =	smul.u32 $0xA0000, s5  }
0xa: {  	_ =	strace $0x80000050;
	s8 =	ssub.s32 $0x2, s5;
	s7 =	smul.u32 $0x2800, s6  }
0xb: {  	s3 =	sadd.s32 $0x382000, s4;
	s6 =	smul.u32 $0xA0000, s6;
	s28 =	sshrl.u32 s8, $0x1  }
0xc: {  	s12 =	ssub.s32 s8, s28;
	s8 =	sadd.s32 s29, s11;
	s9 =	sadd.s32 s14, s9  }
0xd: {  	s14 =	simm.s32 $0x5;
	s7 =	sshrl.u32 s7, $0x3;
	s6 =	sshrl.u32 s6, $0x3  }
0xe: {  	s11 =	sshll.u32 s8, $0x3;
	s30 =	sshrl.u32 s9, $0x3;
	s9 =	smax.u32 s12, $0x1  }
0xf: {  	s7 =	sadd.s32 s7, s4;
	s13 =	sadd.s32 s10, s6;
	s31 =	sadd.s32 s11, s10  }
0x10: {  	s10 =	sadd.s32 s30, s10;
	s4 =	sadd.s32 $0xC000, s7;
	s5 =	sadd.s32 $0x13000, s13  }
0x11: {  	s6 =	sadd.s32 $0x13400, s13;
	s7 =	sadd.s32 $0x13800, s13;
	s8 =	sadd.s32 $0x13C00, s13  }
0x12: {  	s11 =	sadd.s32 $0xC00, s31;
	s12 =	sadd.s32 $0x800, s31;
	s13 =	sadd.s32 $0x400, s31  }
.LBB2_1:
0x13: {  	[tilespmem:s2], [sflag:$0x5] =	stream.linear.gather [hbm4b:s4+s2], $0x2800, $0x38;
	[tilespmem:$0xA800] =	vst v63  }
0x14: {  	_ =	swait.ge [sflag:s14], $0x2800  }
0x15: {  	[sflag:s14] =	ssyncset.done $0x0  }
0x16: {  	[sflag:s14] =	ssyncadd.s32 $0xFFFFD800  }
0x17: {  	[tilespmem:s16], [sflag:$0x1] =	stream.indirect.gather [hbm4b:s3+s15], $0x40, s2, s15, $0xb8;
	[tilespmem:$0xA800] =	vst v63  }
0x18: {  	_ = 	snop  }
0x19: {  	[tilespmem:s17], [sflag:$0x2] =	stream.indirect.gather [hbm4b:s3+s15], $0x40, s15, s15, $0xb8;
	[tilespmem:$0xA800] =	vst v63  }
0x1a: {  	_ = 	snop  }
0x1b: {  	[tilespmem:s19], [sflag:$0x3] =	stream.indirect.gather [hbm4b:s3+s15], $0x40, s18, s15, $0xb8;
	[tilespmem:$0xA800] =	vst v63  }
0x1c: {  	_ = 	snop  }
0x1d: {  	[tilespmem:s21], [sflag:$0x4] =	stream.indirect.gather [hbm4b:s3+s15], $0x40, s20, s15, $0xb8;
	[tilespmem:$0xA800] =	vst v63  }
0x1e: {  	_ =	swait.ge [sflag:s22], $0x2000  }
0x1f: {  	[sflag:s22] =	ssyncset.done $0x0  }
0x20: {  	s28 =	sadd.s32 $0x0, s10;
	[sflag:s22] =	ssyncadd.s32 $0xFFFFE000  }
0x21: {  	[hbm4b:s28+s2] =	stream.linear.scatter [tilespmem:s16], [sflag:$0x1], $0x2000, $0x38;
	[tilespmem:$0xA800] =	vst v63  }
0x22: {  	_ =	swait.ge [sflag:s22], $0x2000  }
0x23: {  	[sflag:s22] =	ssyncset.done $0x0  }
0x24: {  	s28 =	simm.s32 $0x200;
	[sflag:s22] =	ssyncadd.s32 $0xFFFFE000  }
0x25: {  	[tilespmem:s16], [sflag:$0x1] =	stream.indirect.gather [hbm4b:s3+s15], $0x40, s28, s15, $0xb8;
	[tilespmem:$0xA800] =	vst v63  }
0x26: {  	_ =	swait.ge [sflag:s23], $0x2000  }
0x27: {  	[sflag:s23] =	ssyncset.done $0x0  }
0x28: {  	s28 =	sadd.s32 $0x0, s13;
	[sflag:s23] =	ssyncadd.s32 $0xFFFFE000  }
0x29: {  	[hbm4b:s28+s2] =	stream.linear.scatter [tilespmem:s17], [sflag:$0x2], $0x2000, $0x38;
	[tilespmem:$0xA800] =	vst v63  }
0x2a: {  	_ =	swait.ge [sflag:s23], $0x2000  }
0x2b: {  	[sflag:s23] =	ssyncset.done $0x0  }
0x2c: {  	s28 =	simm.s32 $0x280;
	[sflag:s23] =	ssyncadd.s32 $0xFFFFE000  }
0x2d: {  	[tilespmem:s17], [sflag:$0x2] =	stream.indirect.gather [hbm4b:s3+s15], $0x40, s28, s15, $0xb8;
	[tilespmem:$0xA800] =	vst v63  }
0x2e: {  	_ =	swait.ge [sflag:s24], $0x2000  }
0x2f: {  	[sflag:s24] =	ssyncset.done $0x0  }
0x30: {  	s28 =	sadd.s32 $0x0, s12;
	[sflag:s24] =	ssyncadd.s32 $0xFFFFE000  }
0x31: {  	[hbm4b:s28+s2] =	stream.linear.scatter [tilespmem:s19], [sflag:$0x3], $0x2000, $0x38;
	[tilespmem:$0xA800] =	vst v63  }
0x32: {  	_ =	swait.ge [sflag:s24], $0x2000  }
0x33: {  	[sflag:s24] =	ssyncset.done $0x0  }
0x34: {  	s28 =	simm.s32 $0x300;
	[sflag:s24] =	ssyncadd.s32 $0xFFFFE000  }
0x35: {  	[tilespmem:s19], [sflag:$0x3] =	stream.indirect.gather [hbm4b:s3+s15], $0x40, s28, s15, $0xb8;
	[tilespmem:$0xA800] =	vst v63  }
0x36: {  	_ =	swait.ge [sflag:s25], $0x2000  }
0x37: {  	[sflag:s25] =	ssyncset.done $0x0  }
0x38: {  	s28 =	sadd.s32 $0x0, s11;
	[sflag:s25] =	ssyncadd.s32 $0xFFFFE000  }
0x39: {  	[hbm4b:s28+s2] =	stream.linear.scatter [tilespmem:s21], [sflag:$0x4], $0x2000, $0x38;
	[tilespmem:$0xA800] =	vst v63  }
0x3a: {  	_ =	swait.ge [sflag:s25], $0x2000  }
0x3b: {  	s29 =	simm.s32 $0x1000;
	[sflag:s25] =	ssyncset.done $0x0  }
0x3c: {  	s30 =	simm.s32 $0x580;
	s28 =	simm.s32 $0x380;
	[sflag:s25] =	ssyncadd.s32 $0xFFFFE000  }
.LBB2_2:
0x3d: {  	[tilespmem:s21], [sflag:$0x4] =	stream.indirect.gather [hbm4b:s3+s15], $0x40, s28, s15, $0xb8;
	[tilespmem:$0xA800] =	vst v63  }
0x3e: {  	s31 =	smov.u32 s29;
	s28 =	smov.u32 s30  }
0x3f: {  	p0 =	sne.s32 s29, $0x12000;
	s29 =	sadd.s32 $0x1000, s29;
	_ =	swait.ge [sflag:s22], $0x2000  }
0x40: {  	[sflag:s22] =	ssyncset.done $0x0  }
0x41: {  	s1 =	sadd.s32 s31, s10;
	[sflag:s22] =	ssyncadd.s32 $0xFFFFE000  }
0x42: {  	[hbm4b:s1+s2] =	stream.linear.scatter [tilespmem:s16], [sflag:$0x1], $0x2000, $0x38;
	[tilespmem:$0xA800] =	vst v63  }
0x43: {  	_ =	swait.ge [sflag:s22], $0x2000  }
0x44: {  	[sflag:s22] =	ssyncset.done $0x0  }
0x45: {  	s1 =	sadd.s32 $0xFFFFFE80, s30;
	[sflag:s22] =	ssyncadd.s32 $0xFFFFE000  }
0x46: {  	[tilespmem:s16], [sflag:$0x1] =	stream.indirect.gather [hbm4b:s3+s15], $0x40, s1, s15, $0xb8;
	[tilespmem:$0xA800] =	vst v63  }
0x47: {  	_ =	swait.ge [sflag:s23], $0x2000  }
0x48: {  	[sflag:s23] =	ssyncset.done $0x0  }
0x49: {  	s1 =	sadd.s32 s31, s13;
	[sflag:s23] =	ssyncadd.s32 $0xFFFFE000  }
0x4a: {  	[hbm4b:s1+s2] =	stream.linear.scatter [tilespmem:s17], [sflag:$0x2], $0x2000, $0x38;
	[tilespmem:$0xA800] =	vst v63  }
0x4b: {  	_ =	swait.ge [sflag:s23], $0x2000  }
0x4c: {  	[sflag:s23] =	ssyncset.done $0x0  }
0x4d: {  	s1 =	sadd.s32 $0xFFFFFF00, s30;
	[sflag:s23] =	ssyncadd.s32 $0xFFFFE000  }
0x4e: {  	[tilespmem:s17], [sflag:$0x2] =	stream.indirect.gather [hbm4b:s3+s15], $0x40, s1, s15, $0xb8;
	[tilespmem:$0xA800] =	vst v63  }
0x4f: {  	_ =	swait.ge [sflag:s24], $0x2000  }
0x50: {  	[sflag:s24] =	ssyncset.done $0x0  }
0x51: {  	s1 =	sadd.s32 s31, s12;
	[sflag:s24] =	ssyncadd.s32 $0xFFFFE000  }
0x52: {  	[hbm4b:s1+s2] =	stream.linear.scatter [tilespmem:s19], [sflag:$0x3], $0x2000, $0x38;
	[tilespmem:$0xA800] =	vst v63  }
0x53: {  	_ =	swait.ge [sflag:s24], $0x2000  }
0x54: {  	[sflag:s24] =	ssyncset.done $0x0  }
0x55: {  	s1 =	sadd.s32 $0xFFFFFF80, s30;
	[sflag:s24] =	ssyncadd.s32 $0xFFFFE000  }
0x56: {  	[tilespmem:s19], [sflag:$0x3] =	stream.indirect.gather [hbm4b:s3+s15], $0x40, s1, s15, $0xb8;
	[tilespmem:$0xA800] =	vst v63  }
0x57: {  	_ =	swait.ge [sflag:s25], $0x2000  }
0x58: {  	[sflag:s25] =	ssyncset.done $0x0  }
.Ltmp0:
0x59: {  	s1 =	sadd.s32 s31, s11;
	[sflag:s25] =	ssyncadd.s32 $0xFFFFE000;
	(pc) =	sbr.rel @p0 .LBB2_2-.Ltmp0, $4  }
0x5a: {  	[hbm4b:s1+s2] =	stream.linear.scatter [tilespmem:s21], [sflag:$0x4], $0x2000, $0x38;
	[tilespmem:$0xA800] =	vst v63  }
0x5b: {  	_ =	swait.ge [sflag:s25], $0x2000  }
0x5c: {  	[sflag:s25] =	ssyncset.done $0x0  }
0x5d: {  	s30 =	sadd.s32 $0x200, s30;
	[sflag:s25] =	ssyncadd.s32 $0xFFFFE000  }
0x5e: {  	[tilespmem:s21], [sflag:$0x4] =	stream.indirect.gather [hbm4b:s3+s15], $0x40, s28, s15, $0xb8;
	[tilespmem:$0xA800] =	vst v63  }
0x5f: {  	_ =	swait.ge [sflag:s22], $0x2000  }
0x60: {  	[sflag:s22] =	ssyncset.done $0x0  }
0x61: {  	[sflag:s22] =	ssyncadd.s32 $0xFFFFE000  }
0x62: {  	[hbm4b:s5+s2] =	stream.linear.scatter [tilespmem:s16], [sflag:$0x1], $0x2000, $0x38;
	[tilespmem:$0xA800] =	vst v63  }
0x63: {  	_ =	swait.ge [sflag:s22], $0x2000  }
0x64: {  	[sflag:s22] =	ssyncset.done $0x0  }
0x65: {  	[sflag:s22] =	ssyncadd.s32 $0xFFFFE000  }
0x66: {  	_ =	swait.ge [sflag:s23], $0x2000  }
0x67: {  	[sflag:s23] =	ssyncset.done $0x0  }
0x68: {  	[sflag:s23] =	ssyncadd.s32 $0xFFFFE000  }
0x69: {  	[hbm4b:s6+s2] =	stream.linear.scatter [tilespmem:s17], [sflag:$0x2], $0x2000, $0x38;
	[tilespmem:$0xA800] =	vst v63  }
0x6a: {  	_ =	swait.ge [sflag:s23], $0x2000  }
0x6b: {  	[sflag:s23] =	ssyncset.done $0x0  }
0x6c: {  	[sflag:s23] =	ssyncadd.s32 $0xFFFFE000  }
0x6d: {  	_ =	swait.ge [sflag:s24], $0x2000  }
0x6e: {  	[sflag:s24] =	ssyncset.done $0x0  }
0x6f: {  	[sflag:s24] =	ssyncadd.s32 $0xFFFFE000  }
0x70: {  	[hbm4b:s7+s2] =	stream.linear.scatter [tilespmem:s19], [sflag:$0x3], $0x2000, $0x38;
	[tilespmem:$0xA800] =	vst v63  }
0x71: {  	_ =	swait.ge [sflag:s24], $0x2000  }
0x72: {  	[sflag:s24] =	ssyncset.done $0x0  }
0x73: {  	[sflag:s24] =	ssyncadd.s32 $0xFFFFE000  }
0x74: {  	s26 =	sadd.s32 $0x1, s26;
	_ =	swait.ge [sflag:s25], $0x2000  }
0x75: {  	p0 =	sne.s32 s26, s9;
	[sflag:s25] =	ssyncset.done $0x0  }
.Ltmp1:
0x76: {  	[sflag:s25] =	ssyncadd.s32 $0xFFFFE000;
	(pc) =	sbr.rel @p0 .LBB2_1-.Ltmp1, $4  }
0x77: {  	[hbm4b:s8+s2] =	stream.linear.scatter [tilespmem:s21], [sflag:$0x4], $0x2000, $0x38;
	[tilespmem:$0xA800] =	vst v63  }
0x78: {  	_ =	swait.ge [sflag:s25], $0x2000  }
0x79: {  	[sflag:s25] =	ssyncset.done $0x0  }
0x7a: {  	[sflag:s25] =	ssyncadd.s32 $0xFFFFE000  }
0x7b: {  	_ =	sfence.sel $0x180000  }
0x7c: {  	[bflag:$0x0] =	sbarrier.arrive $0xFFFF  }
0x7d: {  	_ =	strace $0x90000050  }
0x7e: {  	[bflag:$0x2] =	sbarrier.arrive $0xFFFF  }
0x7f: {  	p0 =	sne.s32 s0, $0x0;
	s0 =	rddreg [dreg:$0x1]  }
0x80: {  	s0 =	sadd.s32 @!p0 $0x100000, s0  }
0x81: {  	[sflag:s0] =	ssyncadd.tile.s32 @!p0 $0x1;
	_ =	shalt  }
.Lfunc_end2:
_tile_overlayer_lowered:
.L_overlay_start_2:
0x82: {  	(tag) =	ssettag $0x2  }
0x83: {  	s0 =	rddreg [dreg:$0x0];
	s2 =	stileid.u32  }
0x84: {  	s1 =	rddreg [dreg:$0x1];
	p0 =	sne.s32 s2, $0x0  }
0x85: {  	s3 =	rddreg [dreg:$0x2];
	[bflag:$0x3] =	sbarrier.arrive $0xFFFF;
	s2 =	simm.s32 @!p0 $0x1C05  }
0x86: {  	[timem:s3], [sflag:s2] =	dma.local @!p0 [hbm:s0], s1  }
0x87: {  	s0 =	simm.s32 @!p0 $0x5  }
0x88: {  	_ =	swait.ge @!p0 [sflag:s0], s1  }
0x89: {  	s1 =	ssub.s32 @!p0 $0x0, s1;
	[sflag:s0] =	ssyncset.done @!p0 $0x0  }
0x8a: {  	[sflag:s0] =	ssyncadd.s32 @!p0 s1  }
0x8b: {  	[bflag:$0x3] =	sbarrier.arrive $0xFFFF  }
0x8c: {  	_ =	shalt  }

// kernel: kernel.8.cloned.1.call-start
scs
__scs_entry_jumppad:
0x0: {  	(pc) =	sbr.rel $0x88, $3  }
0x1: {  	(tag) =	ssettag $0x0;
	lr =	simm.s32 $0x1  }
0x2: {  	[smem:$0x3F9B] =	sst lr;
	_ =	strace $0xD0000000  }
0x3: {  	_ = 	snop  }
0x4: {  	_ = 	snop  }
0x5: {  	_ = 	snop  }
0x6: {  	_ = 	snop  }
0x7: {  	_ = 	snop  }
__scs_overlays_trampoline_lowered:
0x8: {  	[smem:$0x3FAA] =	sst s0  }
0x9: {  	[smem:$0x3FAB] =	sst s1  }
0xa: {  	[smem:$0x3FAC] =	sst s2  }
0xb: {  	[smem:$0x3FAD] =	sst s3  }
0xc: {  	[smem:$0x3FAE] =	sst s4  }
0xd: {  	[smem:$0x3FAF] =	sst s5  }
0xe: {  	[smem:$0x3FB0] =	sst s6  }
0xf: {  	[smem:$0x3FB1] =	sst s7  }
0x10: {  	[smem:$0x3FB2] =	sst s8  }
0x11: {  	[smem:$0x3FB3] =	sst s9;
	s0 =	simm.s32 @!p0 $0x0  }
0x12: {  	s1 =	sld [smem:$0x3F99];
	s0 =	simm.s32 @p0 $0x1  }
0x13: {  	[smem:$0x3FB4] =	sst s0;
	s0 =	simm.s32 @!p1 $0x0  }
0x14: {  	s2 =	sld [smem:$0x3F98];
	s0 =	simm.s32 @p1 $0x1  }
0x15: {  	[smem:$0x3FB5] =	sst s0;
	s0 =	simm.s32 @!p2 $0x0  }
0x16: {  	s3 =	sld [smem:$0x3FDB];
	s0 =	simm.s32 @p2 $0x1  }
0x17: {  	s4 =	simm.s32 $0x1BF5;
	[smem:$0x3FB7] =	sst s0  }
0x18: {  	s0 =	sld [smem:$0x3F9A];
	_ =	swait.ge [sflag:s4], $0x0  }
0x19: {  	s7 =	sld [smem:$0x3F9B]  }
0x1a: {  	s8 =	sadd.s32 $0xFFFFE003, lr  }
0x1b: {  	s9 =	sadd.s32 $0xFFFFFEF7, lr;
	s5 =	simm.s32 $0xFFFFFFFF;
	p2 =	slt.u32 s8, $0xFFFFF086  }
0x1c: {  	p1 =	slt.u32 s9, $0xF7A;
	s5 =	simm.s32 @!p2 $0x0  }
0x1d: {  	s5 =	simm.s32 @p1 $0x1;
	p0 =	seq.s32 s7, s2  }
0x1e: {  	s7 =	smul.u32 @!p0 $0xF7A, s2;
	p2 =	seq.s32 @!p0 s5, $0x0  }
0x1f: {  	s9 =	smul.u32 $0xF7A, s1;
	s8 =	simm.s32 @!p0 $0x1BF5;
	p2 =	por !p2, p0  }
0x20: {  	[sflag:s8] =	ssyncset.s32 @!p0 $0xFFFFF086;
	s6 =	sadd.s32 @!p0 s3, s7;
	s7 =	simm.s32 @!p0 $0x108  }
0x21: {  	s3 =	sadd.s32 s3, s9;
	s6 =	sadd.s32 @!p0 $0x88, s6;
	s7 =	simm.s32 @p2 $0x1082  }
0x22: {  	[simem:s7], [sflag:s8] =	dma.local @!p0 [hbm:s6], $0xF7A  }
0x23: {  	s9 =	sor.u32 $0xD0000000, s2;
	s6 =	simm.s32 $0x108;
	_ =	swait.ge @!p0 [sflag:s8], $0x0  }
0x24: {  	s3 =	sadd.s32 $0x88, s3;
	s6 =	simm.s32 @!p1 $0x1082;
	[sflag:s4] =	ssyncset.s32 $0xFFFFF086  }
0x25: {  	[simem:s6], [sflag:s4] =	dma.local [hbm:s3], $0xF7A  }
0x26: {  	[smem:$0x3F9B] =	sst s1;
	(tag) =	ssettag s2;
	_ =	strace s9  }
0x27: {  	s1 =	sld [smem:$0x3FAB]  }
0x28: {  	s2 =	sld [smem:$0x3FAC]  }
0x29: {  	s4 =	sld [smem:$0x3FAE]  }
0x2a: {  	p0 =	seq.s32 s5, $0x0;
	s5 =	sld [smem:$0x3FAF]  }
0x2b: {  	s6 =	sld [smem:$0x3FB0]  }
0x2c: {  	s7 =	sld [smem:$0x3FB1]  }
0x2d: {  	s3 =	simm.s32 $0x108;
	s8 =	sld [smem:$0x3FB2]  }
0x2e: {  	s3 =	simm.s32 @!p0 $0x1082;
	s9 =	sld [smem:$0x3FB3]  }
0x2f: {  	lr =	sadd.s32 s0, s3;
	s0 =	sld [smem:$0x3FAA]  }
0x30: {  	s3 =	sld [smem:$0x3FAD]  }
0x31: {  	[smem:$0x3FB6] =	sst s10  }
0x32: {  	s10 =	sld [smem:$0x3FB4];
	_ =	sdelay $0x3  }
0x33: {  	p0 =	seq.s32 s10, $0x1;
	s10 =	sld [smem:$0x3FB6];
	_ =	sdelay $0x3  }
0x34: {  	[smem:$0x3FB6] =	sst s10  }
0x35: {  	s10 =	sld [smem:$0x3FB5];
	_ =	sdelay $0x3  }
0x36: {  	p1 =	seq.s32 s10, $0x1;
	s10 =	sld [smem:$0x3FB6];
	_ =	sdelay $0x3  }
0x37: {  	[smem:$0x3FB6] =	sst s10  }
0x38: {  	s10 =	sld [smem:$0x3FB7]  }
0x39: {  	_ = 	snop;
	(pc) =	sbr.ind lr, $3  }
0x3a: {  	_ = 	snop  }
0x3b: {  	_ = 	snop  }
0x3c: {  	p2 =	seq.s32 s10, $0x1;
	s10 =	sld [smem:$0x3FB6]  }
0x3d: {  	_ =	shalt  }
0x3e: {  	_ =	shalt  }
0x3f: {  	_ =	shalt  }
0x40: {  	_ =	shalt  }
0x41: {  	_ =	shalt  }
0x42: {  	_ =	shalt  }
0x43: {  	_ =	shalt  }
0x44: {  	_ =	shalt  }
0x45: {  	_ =	shalt  }
0x46: {  	_ =	shalt  }
0x47: {  	_ =	shalt  }
0x48: {  	_ =	shalt  }
0x49: {  	_ =	shalt  }
0x4a: {  	_ =	shalt  }
0x4b: {  	_ =	shalt  }
0x4c: {  	_ =	shalt  }
0x4d: {  	_ =	shalt  }
0x4e: {  	_ =	shalt  }
0x4f: {  	_ =	shalt  }
0x50: {  	_ =	shalt  }
0x51: {  	_ =	shalt  }
0x52: {  	_ =	shalt  }
0x53: {  	_ =	shalt  }
0x54: {  	_ =	shalt  }
0x55: {  	_ =	shalt  }
0x56: {  	_ =	shalt  }
0x57: {  	_ =	shalt  }
0x58: {  	_ =	shalt  }
0x59: {  	_ =	shalt  }
0x5a: {  	_ =	shalt  }
0x5b: {  	_ =	shalt  }
0x5c: {  	_ =	shalt  }
0x5d: {  	_ =	shalt  }
0x5e: {  	_ =	shalt  }
0x5f: {  	_ =	shalt  }
0x60: {  	_ =	shalt  }
0x61: {  	_ =	shalt  }
0x62: {  	_ =	shalt  }
0x63: {  	_ =	shalt  }
0x64: {  	_ =	shalt  }
0x65: {  	_ =	shalt  }
0x66: {  	_ =	shalt  }
0x67: {  	_ =	shalt  }
0x68: {  	_ =	shalt  }
0x69: {  	_ =	shalt  }
0x6a: {  	_ =	shalt  }
0x6b: {  	_ =	shalt  }
0x6c: {  	_ =	shalt  }
0x6d: {  	_ =	shalt  }
0x6e: {  	_ =	shalt  }
0x6f: {  	_ =	shalt  }
0x70: {  	_ =	shalt  }
0x71: {  	_ =	shalt  }
0x72: {  	_ =	shalt  }
0x73: {  	_ =	shalt  }
0x74: {  	_ =	shalt  }
0x75: {  	_ =	shalt  }
0x76: {  	_ =	shalt  }
0x77: {  	_ =	shalt  }
0x78: {  	_ =	shalt  }
0x79: {  	_ =	shalt  }
0x7a: {  	_ =	shalt  }
0x7b: {  	_ =	shalt  }
0x7c: {  	_ =	shalt  }
0x7d: {  	_ =	shalt  }
0x7e: {  	_ =	shalt  }
0x7f: {  	_ =	shalt  }
0x80: {  	_ =	shalt  }
0x81: {  	_ =	shalt  }
0x82: {  	_ =	shalt  }
0x83: {  	_ =	shalt  }
0x84: {  	_ =	shalt  }
0x85: {  	_ =	shalt  }
0x86: {  	_ =	shalt  }
0x87: {  	_ =	shalt  }
.Lfunc_end0:
.L_simem_size_0:
called_computation.2_lowered:
.L_overlay_start_0:
0x88: {  	s2 =	sld [smem:$0x3FD9]  }
0x89: {  	s3 =	sld [smem:$0x3FFE];
	_ =	sdelay $0x1  }
0x8a: {  	s1 =	srdreg.scid  }
0x8b: {  	s0 =	sand.u32 $0x1, s1  }
0x8c: {  	s17 =	sshll.u32 s0, $0xA;
	s2 =	sadd.s32 s3, s2  }
0x8d: {  	s2 =	sadd.s32 s2, s17  }
0x8e: {  	[smem:$0x3FC2] =	sst s2  }
0x8f: {  	_ = 	snop  }
0x90: {  	s18 =	sld [smem:$0x3FD0];
	(tm) =	ssettm $0x1  }
0x91: {  	s19 =	sld [smem:$0x3FFB];
	_ =	sdelay $0x3  }
0x92: {  	_ =	strace s19  }
0x93: {  	s2 =	sld [smem:$0x3FFC];
	_ =	sdelay $0x3  }
0x94: {  	_ =	strace s2  }
0x95: {  	s2 =	sld [smem:$0x3FFD];
	_ =	sdelay $0x3  }
0x96: {  	_ =	strace s2  }
0x97: {  	_ =	strace $0x8FFFFFFF  }
0x98: {  	s20 =	sld [smem:$0x3FDB];
	_ =	sdelay $0x1  }
0x99: {  	s4 =	simm.s32 $_scs_section_size  }
0x9a: {  	s5 =	simm.s32 $_size__tile_overlayer_lowered;
	s6 =	simm.s32 $_tile_overlayer_lowered  }
0x9b: {  	s7 =	simm.s32 $0x1BFF;
	s21 =	sshll.u32 s6, $0x1;
	s4 =	sadd.s32 s4, s20  }
0x9c: {  	s22 =	simm.s32 $0x0;
	s5 =	sshll.u32 s5, $0x1;
	s6 =	sadd.s32 s21, s4  }
0x9d: {  	[timem:s22], [sflag:s7] =	dma.local [hbm:s6], s5  }
0x9e: {  	_ =	swait.ge [sflag:s7], s5  }
0x9f: {  	s5 =	ssub.s32 $0x0, s5;
	[sflag:s7] =	ssyncset.done $0x0  }
0xa0: {  	[sflag:s7] =	ssyncadd.s32 s5;
	_ =	sdelay $0x1  }
0xa1: {  	s23 =	simm.s32 $0x1B8B  }
0xa2: {  	_ =	swait.ge [sflag:s23], $0x1  }
0xa3: {  	[sflag:s23] =	ssyncset.done $0x0  }
0xa4: {  	[sflag:s23] =	ssyncadd.s32 $0xFFFFFFFF  }
0xa5: {  	s5 =	sld [smem:$0x0]  }
0xa6: {  	s6 =	sand.u32 $0xFFFFFFFE, s1  }
0xa7: {  	p0 =	sne.s32 s1, s6  }
0xa8: {  	s6 =	sshll.u32 @p0 s6, $0xE  }
0xa9: {  	s6 =	sadd.s32 @p0 $0x11B8D, s6;
	s7 =	sshll.u32 @p0 s5, $0x11  }
0xaa: {  	s6 =	sor.u32 @p0 s7, s6  }
0xab: {  	[sflag:s6] =	ssyncadd.remote.s32 @p0 $0x1;
	_ =	sdelay $0x1  }
0xac: {  	s6 =	simm.s32 @p0 $0x1B8D  }
0xad: {  	_ =	swait.eq @p0 [sflag:s6], $0x1  }
0xae: {  	[sflag:s6] =	ssyncadd.s32 @p0 $0xFFFFFFFF  }
0xaf: {  	s7 =	sshll.u32 @!p0 s1, $0xE  }
0xb0: {  	s7 =	sor.u32 @!p0 $0x4000, s7;
	s6 =	simm.s32 @!p0 $0x1B8D  }
0xb1: {  	s5 =	sshll.u32 @!p0 s5, $0x11;
	s7 =	sadd.s32 @!p0 $0x11B8D, s7;
	_ =	swait.eq @!p0 [sflag:s6], $0x1  }
0xb2: {  	s5 =	sor.u32 @!p0 s5, s7;
	[sflag:s6] =	ssyncadd.s32 @!p0 $0xFFFFFFFF  }
0xb3: {  	s25 =	simm.s32 $0x1B8E;
	s24 =	sld [smem:$0x3FFE];
	[sflag:s5] =	ssyncadd.remote.s32 @!p0 $0x1  }
0xb4: {  	s26 =	simm.s32 $execute0_lowered;
	[smem:$0x3FD2] =	sst s25  }
0xb5: {  	s6 =	sshll.u32 s26, $0x1;
	_ =	strace $0x8000004C;
	[dreg:$0x1] =	wrdreg $0xFFFFFFFF  }
0xb6: {  	s28 =	simm.s32 $_size_execute0_lowered;
	s4 =	sadd.s32 s4, s6;
	[dreg:$0x0] =	wrdreg $0x0  }
0xb7: {  	s6 =	sshll.u32 s28, $0x1;
	[dreg:$0x2] =	wrdreg s4  }
0xb8: {  	[dreg:$0x3] =	wrdreg s6  }
0xb9: {  	[dreg:$0x4] =	wrdreg $0xC0  }
0xba: {  	_ =	task [dreg:s22], $0x5FFFF  }
0xbb: {  	[dreg:$0x1] =	wrdreg $0xFFFFFFFF  }
0xbc: {  	[dreg:$0x0] =	wrdreg $0x60  }
0xbd: {  	[dreg:$0x2] =	wrdreg s18  }
0xbe: {  	[dreg:$0x3] =	wrdreg s24  }
0xbf: {  	[dreg:$0x4] =	wrdreg $0xA  }
0xc0: {  	_ =	task.clear_ibuf [dreg:s22], $0x5FFFF;
	_ =	strace $0x9000004C  }
0xc1: {  	s29 =	simm.s32 $0xA;
	_ =	strace $0x8000004E  }
0xc2: {  	_ =	swait.ge [sflag:s29], $0x1  }
0xc3: {  	[sflag:s29] =	ssyncadd.s32 $0xFFFFFFFF  }
0xc4: {  	_ =	strace $0x9000004E  }
0xc5: {  	_ =	sfence  }
0xc6: {  	s30 =	sld [smem:$0x0];
	_ =	sdelay $0x2  }
0xc7: {  	s31 =	sshll.u32 s1, $0xD;
	s1 =	sshrl.u32 s1, $0x2  }
0xc8: {  	s4 =	sand.u32 $0x4000, s31;
	s1 =	sadd.s32 s1, s30  }
0xc9: {  	s0 =	sor.u32 s4, s0;
	s1 =	sshll.u32 s1, $0x11  }
0xca: {  	s0 =	sor.u32 s1, s0  }
0xcb: {  	s0 =	sadd.s32 $0x8F2B, s0  }
0xcc: {  	[sflag:s0] =	ssyncadd.remote.s32 $0x1  }
0xcd: {  	_ =	sfence.sel $0xFFFF  }
0xce: {  	[dreg:$0x0] =	wrdreg $0xFFFFFFFF;
	(pc) =	sbr.abs _section_cstart, $3  }
0xcf: {  	[dreg:$0x1] =	wrdreg $0xFFFFFFFF  }
0xd0: {  	_ =	task.clear_ibuf [dreg:s22], $0x2FFFF;
	_ =	strace $0x9FFFFFFF  }
0xd1: {  	(tm) =	ssettm $0x7FFFFFFF  }
tec
execute0_lowered:
.L_overlay_start_1:
0x0: {  	(tag) =	ssettag $0x1  }
0x1: {  	s1 =	srdreg.scid;
	s2 =	rddreg [dreg:$0x0]  }
0x2: {  	s0 =	stileid.u32;
	s4 =	rddreg [dreg:$0x1]  }
0x3: {  	s3 =	simm.s32 $0x0;
	s15 =	simm.s32 $0x80;
	s16 =	simm.s32 $0x2800  }
0x4: {  	s17 =	simm.s32 $0x4800;
	s18 =	simm.s32 $0x100;
	s19 =	simm.s32 $0x6800  }
0x5: {  	s20 =	simm.s32 $0x180;
	s21 =	simm.s32 $0x8800;
	s22 =	simm.s32 $0x1  }
0x6: {  	s23 =	simm.s32 $0x2;
	s24 =	simm.s32 $0x3;
	s9 =	smul.u32 $0x140000, s0  }
0x7: {  	s25 =	simm.s32 $0x4;
	s5 =	sand.u32 $0x1, s1;
	s11 =	smul.u32 $0x5000, s0  }
0x8: {  	s26 =	sshll.u32 s0, $0x1;
	[smem:$0x7FF] =	sst s3;
	s29 =	smul.u32 $0x2800, s5  }
0x9: {  	s10 =	sadd.s32 $0x102000, s4;
	s6 =	sor.u32 s5, s26;
	s14 =	smul.u32 $0xA0000, s5  }
0xa: {  	_ =	strace $0x8000004D;
	s8 =	ssub.s32 $0x2, s5;
	s7 =	smul.u32 $0x2800, s6  }
0xb: {  	s26 =	simm.s32 $0x0;
	s6 =	smul.u32 $0xA0000, s6;
	s28 =	sshrl.u32 s8, $0x1  }
0xc: {  	s12 =	ssub.s32 s8, s28;
	s8 =	sadd.s32 s29, s11;
	s9 =	sadd.s32 s14, s9  }
0xd: {  	s14 =	simm.s32 $0x5;
	s7 =	sshrl.u32 s7, $0x3;
	s6 =	sshrl.u32 s6, $0x3  }
0xe: {  	s11 =	sshll.u32 s8, $0x3;
	s30 =	sshrl.u32 s9, $0x3;
	s9 =	smax.u32 s12, $0x1  }
0xf: {  	s7 =	sadd.s32 s7, s4;
	s13 =	sadd.s32 s10, s6;
	s31 =	sadd.s32 s11, s10  }
0x10: {  	s10 =	sadd.s32 s30, s10;
	s4 =	sadd.s32 $0x2000, s7;
	s5 =	sadd.s32 $0x13000, s13  }
0x11: {  	s6 =	sadd.s32 $0x13400, s13;
	s7 =	sadd.s32 $0x13800, s13;
	s8 =	sadd.s32 $0x13C00, s13  }
0x12: {  	s11 =	sadd.s32 $0xC00, s31;
	s12 =	sadd.s32 $0x800, s31;
	s13 =	sadd.s32 $0x400, s31  }
.LBB2_1:
0x13: {  	[tilespmem:s3], [sflag:$0x5] =	stream.linear.gather [hbm4b:s4+s3], $0x2800, $0x38;
	[tilespmem:$0xA800] =	vst v63  }
0x14: {  	_ =	swait.ge [sflag:s14], $0x2800  }
0x15: {  	[sflag:s14] =	ssyncset.done $0x0  }
0x16: {  	[sflag:s14] =	ssyncadd.s32 $0xFFFFD800  }
0x17: {  	[tilespmem:s16], [sflag:$0x1] =	stream.indirect.gather [hbm4b:s2+s15], $0x40, s3, s15, $0xb8;
	[tilespmem:$0xA800] =	vst v63  }
0x18: {  	_ = 	snop  }
0x19: {  	[tilespmem:s17], [sflag:$0x2] =	stream.indirect.gather [hbm4b:s2+s15], $0x40, s15, s15, $0xb8;
	[tilespmem:$0xA800] =	vst v63  }
0x1a: {  	_ = 	snop  }
0x1b: {  	[tilespmem:s19], [sflag:$0x3] =	stream.indirect.gather [hbm4b:s2+s15], $0x40, s18, s15, $0xb8;
	[tilespmem:$0xA800] =	vst v63  }
0x1c: {  	_ = 	snop  }
0x1d: {  	[tilespmem:s21], [sflag:$0x4] =	stream.indirect.gather [hbm4b:s2+s15], $0x40, s20, s15, $0xb8;
	[tilespmem:$0xA800] =	vst v63  }
0x1e: {  	_ =	swait.ge [sflag:s22], $0x2000  }
0x1f: {  	[sflag:s22] =	ssyncset.done $0x0  }
0x20: {  	s28 =	sadd.s32 $0x0, s10;
	[sflag:s22] =	ssyncadd.s32 $0xFFFFE000  }
0x21: {  	[hbm4b:s28+s3] =	stream.linear.scatter [tilespmem:s16], [sflag:$0x1], $0x2000, $0x38;
	[tilespmem:$0xA800] =	vst v63  }
0x22: {  	_ =	swait.ge [sflag:s22], $0x2000  }
0x23: {  	[sflag:s22] =	ssyncset.done $0x0  }
0x24: {  	s28 =	simm.s32 $0x200;
	[sflag:s22] =	ssyncadd.s32 $0xFFFFE000  }
0x25: {  	[tilespmem:s16], [sflag:$0x1] =	stream.indirect.gather [hbm4b:s2+s15], $0x40, s28, s15, $0xb8;
	[tilespmem:$0xA800] =	vst v63  }
0x26: {  	_ =	swait.ge [sflag:s23], $0x2000  }
0x27: {  	[sflag:s23] =	ssyncset.done $0x0  }
0x28: {  	s28 =	sadd.s32 $0x0, s13;
	[sflag:s23] =	ssyncadd.s32 $0xFFFFE000  }
0x29: {  	[hbm4b:s28+s3] =	stream.linear.scatter [tilespmem:s17], [sflag:$0x2], $0x2000, $0x38;
	[tilespmem:$0xA800] =	vst v63  }
0x2a: {  	_ =	swait.ge [sflag:s23], $0x2000  }
0x2b: {  	[sflag:s23] =	ssyncset.done $0x0  }
0x2c: {  	s28 =	simm.s32 $0x280;
	[sflag:s23] =	ssyncadd.s32 $0xFFFFE000  }
0x2d: {  	[tilespmem:s17], [sflag:$0x2] =	stream.indirect.gather [hbm4b:s2+s15], $0x40, s28, s15, $0xb8;
	[tilespmem:$0xA800] =	vst v63  }
0x2e: {  	_ =	swait.ge [sflag:s24], $0x2000  }
0x2f: {  	[sflag:s24] =	ssyncset.done $0x0  }
0x30: {  	s28 =	sadd.s32 $0x0, s12;
	[sflag:s24] =	ssyncadd.s32 $0xFFFFE000  }
0x31: {  	[hbm4b:s28+s3] =	stream.linear.scatter [tilespmem:s19], [sflag:$0x3], $0x2000, $0x38;
	[tilespmem:$0xA800] =	vst v63  }
0x32: {  	_ =	swait.ge [sflag:s24], $0x2000  }
0x33: {  	[sflag:s24] =	ssyncset.done $0x0  }
0x34: {  	s28 =	simm.s32 $0x300;
	[sflag:s24] =	ssyncadd.s32 $0xFFFFE000  }
0x35: {  	[tilespmem:s19], [sflag:$0x3] =	stream.indirect.gather [hbm4b:s2+s15], $0x40, s28, s15, $0xb8;
	[tilespmem:$0xA800] =	vst v63  }
0x36: {  	_ =	swait.ge [sflag:s25], $0x2000  }
0x37: {  	[sflag:s25] =	ssyncset.done $0x0  }
0x38: {  	s28 =	sadd.s32 $0x0, s11;
	[sflag:s25] =	ssyncadd.s32 $0xFFFFE000  }
0x39: {  	[hbm4b:s28+s3] =	stream.linear.scatter [tilespmem:s21], [sflag:$0x4], $0x2000, $0x38;
	[tilespmem:$0xA800] =	vst v63  }
0x3a: {  	_ =	swait.ge [sflag:s25], $0x2000  }
0x3b: {  	s29 =	simm.s32 $0x1000;
	[sflag:s25] =	ssyncset.done $0x0  }
0x3c: {  	s30 =	simm.s32 $0x580;
	s28 =	simm.s32 $0x380;
	[sflag:s25] =	ssyncadd.s32 $0xFFFFE000  }
.LBB2_2:
0x3d: {  	[tilespmem:s21], [sflag:$0x4] =	stream.indirect.gather [hbm4b:s2+s15], $0x40, s28, s15, $0xb8;
	[tilespmem:$0xA800] =	vst v63  }
0x3e: {  	s31 =	smov.u32 s29;
	s28 =	smov.u32 s30  }
0x3f: {  	p0 =	sne.s32 s29, $0x12000;
	s29 =	sadd.s32 $0x1000, s29;
	_ =	swait.ge [sflag:s22], $0x2000  }
0x40: {  	[sflag:s22] =	ssyncset.done $0x0  }
0x41: {  	s1 =	sadd.s32 s31, s10;
	[sflag:s22] =	ssyncadd.s32 $0xFFFFE000  }
0x42: {  	[hbm4b:s1+s3] =	stream.linear.scatter [tilespmem:s16], [sflag:$0x1], $0x2000, $0x38;
	[tilespmem:$0xA800] =	vst v63  }
0x43: {  	_ =	swait.ge [sflag:s22], $0x2000  }
0x44: {  	[sflag:s22] =	ssyncset.done $0x0  }
0x45: {  	s1 =	sadd.s32 $0xFFFFFE80, s30;
	[sflag:s22] =	ssyncadd.s32 $0xFFFFE000  }
0x46: {  	[tilespmem:s16], [sflag:$0x1] =	stream.indirect.gather [hbm4b:s2+s15], $0x40, s1, s15, $0xb8;
	[tilespmem:$0xA800] =	vst v63  }
0x47: {  	_ =	swait.ge [sflag:s23], $0x2000  }
0x48: {  	[sflag:s23] =	ssyncset.done $0x0  }
0x49: {  	s1 =	sadd.s32 s31, s13;
	[sflag:s23] =	ssyncadd.s32 $0xFFFFE000  }
0x4a: {  	[hbm4b:s1+s3] =	stream.linear.scatter [tilespmem:s17], [sflag:$0x2], $0x2000, $0x38;
	[tilespmem:$0xA800] =	vst v63  }
0x4b: {  	_ =	swait.ge [sflag:s23], $0x2000  }
0x4c: {  	[sflag:s23] =	ssyncset.done $0x0  }
0x4d: {  	s1 =	sadd.s32 $0xFFFFFF00, s30;
	[sflag:s23] =	ssyncadd.s32 $0xFFFFE000  }
0x4e: {  	[tilespmem:s17], [sflag:$0x2] =	stream.indirect.gather [hbm4b:s2+s15], $0x40, s1, s15, $0xb8;
	[tilespmem:$0xA800] =	vst v63  }
0x4f: {  	_ =	swait.ge [sflag:s24], $0x2000  }
0x50: {  	[sflag:s24] =	ssyncset.done $0x0  }
0x51: {  	s1 =	sadd.s32 s31, s12;
	[sflag:s24] =	ssyncadd.s32 $0xFFFFE000  }
0x52: {  	[hbm4b:s1+s3] =	stream.linear.scatter [tilespmem:s19], [sflag:$0x3], $0x2000, $0x38;
	[tilespmem:$0xA800] =	vst v63  }
0x53: {  	_ =	swait.ge [sflag:s24], $0x2000  }
0x54: {  	[sflag:s24] =	ssyncset.done $0x0  }
0x55: {  	s1 =	sadd.s32 $0xFFFFFF80, s30;
	[sflag:s24] =	ssyncadd.s32 $0xFFFFE000  }
0x56: {  	[tilespmem:s19], [sflag:$0x3] =	stream.indirect.gather [hbm4b:s2+s15], $0x40, s1, s15, $0xb8;
	[tilespmem:$0xA800] =	vst v63  }
0x57: {  	_ =	swait.ge [sflag:s25], $0x2000  }
0x58: {  	[sflag:s25] =	ssyncset.done $0x0  }
.Ltmp0:
0x59: {  	s1 =	sadd.s32 s31, s11;
	[sflag:s25] =	ssyncadd.s32 $0xFFFFE000;
	(pc) =	sbr.rel @p0 .LBB2_2-.Ltmp0, $4  }
0x5a: {  	[hbm4b:s1+s3] =	stream.linear.scatter [tilespmem:s21], [sflag:$0x4], $0x2000, $0x38;
	[tilespmem:$0xA800] =	vst v63  }
0x5b: {  	_ =	swait.ge [sflag:s25], $0x2000  }
0x5c: {  	[sflag:s25] =	ssyncset.done $0x0  }
0x5d: {  	s30 =	sadd.s32 $0x200, s30;
	[sflag:s25] =	ssyncadd.s32 $0xFFFFE000  }
0x5e: {  	[tilespmem:s21], [sflag:$0x4] =	stream.indirect.gather [hbm4b:s2+s15], $0x40, s28, s15, $0xb8;
	[tilespmem:$0xA800] =	vst v63  }
0x5f: {  	_ =	swait.ge [sflag:s22], $0x2000  }
0x60: {  	[sflag:s22] =	ssyncset.done $0x0  }
0x61: {  	[sflag:s22] =	ssyncadd.s32 $0xFFFFE000  }
0x62: {  	[hbm4b:s5+s3] =	stream.linear.scatter [tilespmem:s16], [sflag:$0x1], $0x2000, $0x38;
	[tilespmem:$0xA800] =	vst v63  }
0x63: {  	_ =	swait.ge [sflag:s22], $0x2000  }
0x64: {  	[sflag:s22] =	ssyncset.done $0x0  }
0x65: {  	[sflag:s22] =	ssyncadd.s32 $0xFFFFE000  }
0x66: {  	_ =	swait.ge [sflag:s23], $0x2000  }
0x67: {  	[sflag:s23] =	ssyncset.done $0x0  }
0x68: {  	[sflag:s23] =	ssyncadd.s32 $0xFFFFE000  }
0x69: {  	[hbm4b:s6+s3] =	stream.linear.scatter [tilespmem:s17], [sflag:$0x2], $0x2000, $0x38;
	[tilespmem:$0xA800] =	vst v63  }
0x6a: {  	_ =	swait.ge [sflag:s23], $0x2000  }
0x6b: {  	[sflag:s23] =	ssyncset.done $0x0  }
0x6c: {  	[sflag:s23] =	ssyncadd.s32 $0xFFFFE000  }
0x6d: {  	_ =	swait.ge [sflag:s24], $0x2000  }
0x6e: {  	[sflag:s24] =	ssyncset.done $0x0  }
0x6f: {  	[sflag:s24] =	ssyncadd.s32 $0xFFFFE000  }
0x70: {  	[hbm4b:s7+s3] =	stream.linear.scatter [tilespmem:s19], [sflag:$0x3], $0x2000, $0x38;
	[tilespmem:$0xA800] =	vst v63  }
0x71: {  	_ =	swait.ge [sflag:s24], $0x2000  }
0x72: {  	[sflag:s24] =	ssyncset.done $0x0  }
0x73: {  	[sflag:s24] =	ssyncadd.s32 $0xFFFFE000  }
0x74: {  	s26 =	sadd.s32 $0x1, s26;
	_ =	swait.ge [sflag:s25], $0x2000  }
0x75: {  	p0 =	sne.s32 s26, s9;
	[sflag:s25] =	ssyncset.done $0x0  }
.Ltmp1:
0x76: {  	[sflag:s25] =	ssyncadd.s32 $0xFFFFE000;
	(pc) =	sbr.rel @p0 .LBB2_1-.Ltmp1, $4  }
0x77: {  	[hbm4b:s8+s3] =	stream.linear.scatter [tilespmem:s21], [sflag:$0x4], $0x2000, $0x38;
	[tilespmem:$0xA800] =	vst v63  }
0x78: {  	_ =	swait.ge [sflag:s25], $0x2000  }
0x79: {  	[sflag:s25] =	ssyncset.done $0x0  }
0x7a: {  	[sflag:s25] =	ssyncadd.s32 $0xFFFFE000  }
0x7b: {  	_ =	sfence.sel $0x180000  }
0x7c: {  	[bflag:$0x0] =	sbarrier.arrive $0xFFFF  }
0x7d: {  	_ =	strace $0x9000004D  }
0x7e: {  	[bflag:$0x2] =	sbarrier.arrive $0xFFFF  }
0x7f: {  	p0 =	sne.s32 s0, $0x0;
	s0 =	rddreg [dreg:$0x2]  }
0x80: {  	s0 =	sadd.s32 @!p0 $0x100000, s0  }
0x81: {  	[sflag:s0] =	ssyncadd.tile.s32 @!p0 $0x1;
	_ =	shalt  }
.Lfunc_end2:
_tile_overlayer_lowered:
.L_overlay_start_2:
0x82: {  	(tag) =	ssettag $0x2  }
0x83: {  	s0 =	rddreg [dreg:$0x0];
	s2 =	stileid.u32  }
0x84: {  	s1 =	rddreg [dreg:$0x1];
	p0 =	sne.s32 s2, $0x0  }
0x85: {  	s3 =	rddreg [dreg:$0x2];
	[bflag:$0x3] =	sbarrier.arrive $0xFFFF;
	s2 =	simm.s32 @!p0 $0x1C05  }
0x86: {  	[timem:s3], [sflag:s2] =	dma.local @!p0 [hbm:s0], s1  }
0x87: {  	s0 =	simm.s32 @!p0 $0x5  }
0x88: {  	_ =	swait.ge @!p0 [sflag:s0], s1  }
0x89: {  	s1 =	ssub.s32 @!p0 $0x0, s1;
	[sflag:s0] =	ssyncset.done @!p0 $0x0  }
0x8a: {  	[sflag:s0] =	ssyncadd.s32 @!p0 s1  }
0x8b: {  	[bflag:$0x3] =	sbarrier.arrive $0xFFFF  }
0x8c: {  	_ =	shalt  }

</sc_bundles>
